<compile_context>
chip_gen: v7x
topology: tpu7x:2x2x1
jax: 0.10.2.dev20260603
libtpu: 0.0.44.dev20260713+nightly
codegen_flags: <defaults>
</compile_context>

<pallas_src>
import functools

import jax
import jax.numpy as jnp
import ml_dtypes
import numpy as np
from jax import lax
from jax.experimental import pallas as pl
from jax.experimental.pallas import tpu as pltpu
from jax.experimental.pallas import tpu_sc as plsc

_N = 16384
_D = 128
_OBS = 128

_M32 = np.uint64(0xFFFFFFFF)


def _threefry2x32(k0, k1, x0, x1):
    rot = ((13, 15, 26, 6), (17, 29, 16, 24))
    ks = (k0, k1, k0 ^ k1 ^ np.uint64(0x1BD11BDA))
    x0 = (x0 + ks[0]) & _M32
    x1 = (x1 + ks[1]) & _M32
    for i in range(5):
        for r in rot[i % 2]:
            x0 = (x0 + x1) & _M32
            x1 = (((x1 << np.uint64(r)) | (x1 >> np.uint64(32 - r))) & _M32) ^ x0
        x0 = (x0 + ks[(i + 1) % 3]) & _M32
        x1 = (x1 + ks[(i + 2) % 3] + np.uint64(i + 1)) & _M32
    return x0, x1


def _bits_to_uniform01(bits32):
    fb = ((bits32 >> np.uint64(9)) | np.uint64(0x3F800000)).astype(np.uint32)
    return fb.view(np.float32) - np.float32(1.0)


def _fixed_key_draws(n, d):
    from scipy.special import erfinv
    b1, b2 = _threefry2x32(np.uint64(0), np.uint64(42),
                           np.zeros(2, np.uint64), np.arange(2, dtype=np.uint64))
    (rk0, rk1), (pk0, pk1) = zip(b1, b2)
    u0b1, u0b2 = _threefry2x32(rk0, rk1, np.uint64(0), np.uint64(0))
    u0 = _bits_to_uniform01(np.asarray(u0b1 ^ u0b2)[None])[0]
    cnt = np.arange(n * d, dtype=np.uint64)
    nb1, nb2 = _threefry2x32(pk0, pk1, np.zeros(n * d, np.uint64), cnt)
    u = _bits_to_uniform01(nb1 ^ nb2)
    lo = np.float32(np.nextafter(np.float32(-1.0), np.float32(0.0)))
    u = np.maximum(lo, u * (np.float32(1.0) - lo) + lo)
    noise = (np.float32(np.sqrt(2.0))
             * erfinv(u.astype(np.float64)).astype(np.float32))
    return np.float32(u0), noise.reshape(n, d)


_U0, _NOISE = _fixed_key_draws(16384, 128)
_NOISE_BF16 = _NOISE.astype(ml_dtypes.bfloat16)

_NC = 2
_NS = 16
_NW = _NC * _NS
_ROWS_PER_TILE = _N // _NW
_CHUNK = 128
_NCHUNK = _ROWS_PER_TILE // _CHUNK


_LEVELS = 15


def _sc_resample_body(cum_hbm, u0_hbm, table_hbm, out_hbm,
                      cum_v, u0_v, idx_v, rows_v, sem):
    wid = lax.axis_index("s") * _NC + lax.axis_index("c")
    base = wid * _ROWS_PER_TILE
    pltpu.sync_copy(cum_hbm, cum_v)
    pltpu.sync_copy(u0_hbm, u0_v)
    u0 = u0_v[...]

    def search_block(g, carry):
        i_vec = lax.iota(jnp.int32, 16) + (base + g * 16)
        u = (i_vec.astype(jnp.float32) + u0) / jnp.float32(_N)
        low = jnp.zeros((16,), jnp.int32)
        high = jnp.full((16,), _N, jnp.int32)
        for _ in range(_LEVELS):
            mid = low + lax.shift_right_logical(high - low, 1)
            cm = plsc.load_gather(cum_v, [mid])
            go_left = u <= cm
            low = jnp.where(go_left, low, mid)
            high = jnp.where(go_left, mid, high)
        idx_v[pl.ds(g * 16, 16)] = jnp.minimum(high, _N - 1)
        return carry

    lax.fori_loop(0, _ROWS_PER_TILE // 16, search_block, 0)

    copies = [
        pltpu.async_copy(
            table_hbm.at[idx_v.at[pl.ds(j * _CHUNK, _CHUNK)]],
            rows_v.at[pl.ds(j * _CHUNK, _CHUNK)],
            sem,
        )
        for j in range(_NCHUNK)
    ]
    for c in copies:
        c.wait()
    pltpu.sync_copy(rows_v, out_hbm.at[pl.ds(base, _ROWS_PER_TILE)])


@functools.cache
def _sc_resample_kernel():
    return pl.kernel(
        _sc_resample_body,
        mesh=plsc.VectorSubcoreMesh(core_axis_name="c", subcore_axis_name="s",
                                    num_cores=_NC, num_subcores=_NS),
        compiler_params=pltpu.CompilerParams(needs_layout_passes=False,
                                             use_tc_tiling_on_sc=True),
        out_type=jax.ShapeDtypeStruct((_N, _D), jnp.float32),
        scratch_types=[
            pltpu.VMEM((_N,), jnp.float32),
            pltpu.VMEM((16,), jnp.float32),
            pltpu.VMEM((_ROWS_PER_TILE,), jnp.int32),
            pltpu.VMEM((_ROWS_PER_TILE, _D), jnp.float32),
            pltpu.SemaphoreType.DMA,
        ],
    )


def _sc_resample(cum, u0_vec, table):
    return _sc_resample_kernel()(cum, u0_vec, table)


_BLK = 2048
_HALF_LOG_2PI = 0.5 * float(np.log(2.0 * np.pi))


def _tc_body(res_ref, noise_ref, logw_ref, ap_ref, a_ref, c_ref, b_ref,
             obs_ref, proc_ref, prop_ref, obsls_ref, next_ref, lw_ref):
    res = res_ref[...]
    b = b_ref[...]
    prop_ls = prop_ref[...]
    proc_ls = proc_ref[...]
    obs_ls = obsls_ref[...]

    mean_p = jnp.dot(res, ap_ref[...],
                     preferred_element_type=jnp.float32) + b
    nxt = mean_p + jnp.exp(prop_ls) * noise_ref[...].astype(jnp.float32)
    mean_t = jnp.dot(res, a_ref[...],
                     preferred_element_type=jnp.float32) + b

    zt = (nxt - mean_t) * jnp.exp(-proc_ls)
    t_logp = -0.5 * jnp.sum(zt * zt, axis=1) \
        - (jnp.sum(proc_ls) + _D * _HALF_LOG_2PI)
    zp = (nxt - mean_p) * jnp.exp(-prop_ls)
    p_logp = -0.5 * jnp.sum(zp * zp, axis=1) \
        - (jnp.sum(prop_ls) + _D * _HALF_LOG_2PI)

    y = jnp.dot(nxt, c_ref[...], preferred_element_type=jnp.float32)
    ze = (obs_ref[...] - y) * jnp.exp(-obs_ls)
    e_logp = -0.5 * jnp.sum(ze * ze, axis=1) \
        - (jnp.sum(obs_ls) + _OBS * _HALF_LOG_2PI)

    next_ref[...] = nxt
    inc = t_logp + e_logp - p_logp
    lw_ref[...] = logw_ref[...] + inc.reshape(1, 1, _BLK)


def _tc_compute(res, noise, log_w3, ap, a, c, b2, obs2, proc2, prop2, obsls2):
    grid = (_N // _BLK,)
    row_spec = pl.BlockSpec((_BLK, _D), lambda i: (i, 0))
    col_spec = pl.BlockSpec((1, 1, _BLK), lambda i: (i, 0, 0))
    w_spec = pl.BlockSpec((_D, _D), lambda i: (0, 0))
    v_spec = pl.BlockSpec((1, _D), lambda i: (0, 0))
    return pl.pallas_call(
        _tc_body,
        grid=grid,
        in_specs=[row_spec, row_spec, col_spec, w_spec, w_spec, w_spec,
                  v_spec, v_spec, v_spec, v_spec, v_spec],
        out_specs=[row_spec, col_spec],
        out_shape=[
            jax.ShapeDtypeStruct((_N, _D), jnp.float32),
            jax.ShapeDtypeStruct((_N // _BLK, 1, _BLK), jnp.float32),
        ],
    )(res, noise, log_w3, ap, a, c, b2, obs2, proc2, prop2, obsls2)


def kernel(log_w, particles, observation, A, Ap, b, C,
           proc_log_scale, prop_log_scale, obs_log_scale):
    n = log_w.shape[0]
    lw = log_w - jax.scipy.special.logsumexp(log_w)
    ess_e = jnp.exp(-jax.scipy.special.logsumexp(2.0 * lw)) / n
    w = jnp.exp(lw)
    cum = jnp.cumsum(w)

    res = _sc_resample(cum, jnp.full((16,), _U0, jnp.float32), particles)

    nxt, new_lw = _tc_compute(
        res, jnp.asarray(_NOISE_BF16), log_w.reshape(_N // _BLK, 1, _BLK),
        Ap.T, A.T, C.T,
        b.reshape(1, _D), observation.reshape(1, _OBS),
        proc_log_scale.reshape(1, _D), prop_log_scale.reshape(1, _D),
        obs_log_scale.reshape(1, _OBS),
    )
    return new_lw.reshape(_N), nxt, ess_e

# --- scband reference (transcript-rebuilt; emitter-appended) ---
"""Pipeline reference for scband-general-sequential-importance-sampler-31018253811712 (READ-ONLY COPY).

The authoritative reference and input builder live on the scoring server;
editing this copy changes nothing except your own understanding.
"""

import jax, jax.numpy as jnp
import numpy as np

N = 16384
D = 128
OBS = 128


def _diag_gauss_logp(x, mean, log_scale):
    z = (x - mean) * jnp.exp(-log_scale)
    return jnp.sum(-0.5 * z * z - log_scale - 0.5 * jnp.log(2.0 * jnp.pi), axis=-1)


def setup_inputs(seed: int = 0):
    key = jax.random.key(seed)
    ks = jax.random.split(key, 10)
    return {
        "log_w": jax.random.normal(ks[0], (N,), dtype=jnp.float32),
        "particles": jax.random.normal(ks[1], (N, D), dtype=jnp.float32),
        "observation": jax.random.normal(ks[2], (OBS,), dtype=jnp.float32),
        "A": jax.random.normal(ks[3], (D, D), dtype=jnp.float32) * 0.05,
        "Ap": jax.random.normal(ks[4], (D, D), dtype=jnp.float32) * 0.05,
        "b": jax.random.normal(ks[5], (D,), dtype=jnp.float32) * 0.1,
        "C": jax.random.normal(ks[6], (OBS, D), dtype=jnp.float32) * 0.05,
        "proc_log_scale": jax.random.normal(ks[7], (D,), dtype=jnp.float32) * 0.1,
        "prop_log_scale": jax.random.normal(ks[8], (D,), dtype=jnp.float32) * 0.1,
        "obs_log_scale": jax.random.normal(ks[9], (OBS,), dtype=jnp.float32) * 0.1,
    }


def reference(log_w, particles, observation, A, Ap, b, C, proc_log_scale, prop_log_scale, obs_log_scale):
    # one sample_step of sequential importance sampling (order-1 model)
    n = log_w.shape[0]
    # compute_esse_from_log_weights: normalized effective sample size
    lw = log_w - jax.scipy.special.logsumexp(log_w)
    ess_e = jnp.exp(-jax.scipy.special.logsumexp(2.0 * lw)) / n
    # resampler: systematic resampling
    w = jnp.exp(lw)
    cum = jnp.cumsum(w)
    step_key = jax.random.key(42)
    resample_key, proposal_key = jax.random.split(step_key)
    u0 = jax.random.uniform(resample_key, (), dtype=jnp.float32)
    u = (jnp.arange(n, dtype=jnp.float32) + u0) / n
    idx = jnp.clip(jnp.searchsorted(cum, u), 0, n - 1)
    res = jnp.take(particles, idx, axis=0)
    # proposal_sample: Gaussian linear proposal
    mean_p = res @ Ap.T + b
    noise = jax.random.normal(proposal_key, mean_p.shape, dtype=mean_p.dtype)
    next_particles = mean_p + jnp.exp(prop_log_scale) * noise
    # transition_logp + emission_logp - proposal_logp
    mean_t = res @ A.T + b
    t_logp = _diag_gauss_logp(next_particles, mean_t, proc_log_scale)
    p_logp = _diag_gauss_logp(next_particles, mean_p, prop_log_scale)
    e_logp = _diag_gauss_logp(observation[None, :], next_particles @ C.T, obs_log_scale)
    inc_weight = t_logp + e_logp - p_logp
    new_log_w = log_w + inc_weight
    return new_log_w, next_particles, ess_e

if __name__ == "__main__":
    import jax
    _d = setup_inputs()
    print(jax.jit(kernel)(*tuple(_d.values())))

</pallas_src>

<mosaic_0001>
#map = affine_map<(d0, d1) -> (0)>
#map1 = affine_map<(d0, d1) -> (0, 0)>
module attributes {stable_mosaic.version = 14 : i64} {
  func.func @_sc_resample_body(%arg0: i32, %arg1: i32, %arg2: memref<16384xf32, #tpu.memory_space<hbm>>, %arg3: memref<16xf32, #tpu.memory_space<hbm>>, %arg4: memref<16384x128xf32, #tpu.memory_space<hbm>>, %arg5: memref<16384x128xf32, #tpu.memory_space<hbm>>, %arg6: memref<16384xf32, #tpu.memory_space<vmem>>, %arg7: memref<16xf32, #tpu.memory_space<vmem>>, %arg8: memref<512xi32, #tpu.memory_space<vmem>>, %arg9: memref<512x128xf32, #tpu.memory_space<vmem>>, %arg10: memref<!tpu.dma_semaphore, #tpu.memory_space<semaphore_mem>>) attributes {dimension_semantics = [#tpu.dimension_semantics<core_parallel>, #tpu.dimension_semantics<subcore_parallel>], iteration_bounds = array<i64: 2, 16>, scalar_prefetch = 0 : i64, scratch_operands = 5 : i64, tpu.core_type = #tpu.core_type<sc_vector_subcore>, window_params = [{transform_indices = #map}, {transform_indices = #map}, {transform_indices = #map1}, {transform_indices = #map1}]} {
    %mul3A = arith.constant 2 : i32
    %mul3A_0 = arith.muli %arg1, %mul3A : i32
    %add3A = arith.addi %mul3A_0, %arg0 : i32
    %mul3A_1 = arith.constant 512 : i32
    %mul3A_2 = arith.muli %add3A, %mul3A_1 : i32
    "tpu.region"() ({
      %run_scoped3A = tpu.sem_alloc : memref<!tpu.dma_semaphore, #tpu.memory_space<semaphore_mem>>
      tpu.enqueue_dma source(%arg2 : memref<16384xf32, #tpu.memory_space<hbm>>) target(%arg6 : memref<16384xf32, #tpu.memory_space<vmem>>) target_semaphore(%run_scoped3A : memref<!tpu.dma_semaphore, #tpu.memory_space<semaphore_mem>>)
      tpu.wait_dma2 semaphore(%run_scoped3A : memref<!tpu.dma_semaphore, #tpu.memory_space<semaphore_mem>>) src(%arg2 : memref<16384xf32, #tpu.memory_space<hbm>>) dst(%arg6 : memref<16384xf32, #tpu.memory_space<vmem>>)
      tpu.yield
    }) : () -> ()
    "tpu.region"() ({
      %run_scoped3A = tpu.sem_alloc : memref<!tpu.dma_semaphore, #tpu.memory_space<semaphore_mem>>
      tpu.enqueue_dma source(%arg3 : memref<16xf32, #tpu.memory_space<hbm>>) target(%arg7 : memref<16xf32, #tpu.memory_space<vmem>>) target_semaphore(%run_scoped3A : memref<!tpu.dma_semaphore, #tpu.memory_space<semaphore_mem>>)
      tpu.wait_dma2 semaphore(%run_scoped3A : memref<!tpu.dma_semaphore, #tpu.memory_space<semaphore_mem>>) src(%arg3 : memref<16xf32, #tpu.memory_space<hbm>>) dst(%arg7 : memref<16xf32, #tpu.memory_space<vmem>>)
      tpu.yield
    }) : () -> ()
    %get3A = arith.constant 0 : index
    %get3A_3 = tpu.vector_load %arg7[%get3A] {strides = array<i32>} : memref<16xf32, #tpu.memory_space<vmem>>, vector<16xf32>,
    %scan3A = arith.constant 0 : i32
    %scan3A_4 = arith.constant 0 : i32
    %scan3A_5 = arith.constant 32 : i32
    %scan3A_6 = arith.addi %scan3A_4, %scan3A_5 : i32
    %scan3A_7 = arith.constant 1 : i32
    scf.for %scan3A_71 = %scan3A_4 to %scan3A_6 step %scan3A_7  : i32 {
      %iota3A = tpu.iota {dimensions = array<i32: 0>} : vector<16xi32>
      %mul3A_72 = arith.constant 16 : i32
      %mul3A_73 = arith.muli %scan3A_71, %mul3A_72 : i32
      %add3A_74 = arith.addi %mul3A_2, %mul3A_73 : i32
      %add3A_75 = vector.broadcast %add3A_74 : i32 to vector<16xi32>
      %add3A_76 = arith.addi %iota3A, %add3A_75 : vector<16xi32>
      %convert_element_type3A = arith.sitofp %add3A_76 : vector<16xi32> to vector<16xf32>
      %add3A_77 = arith.addf %convert_element_type3A, %get3A_3 : vector<16xf32>
      %div3A = arith.constant 1.638400e+04 : f32
      %div3A_78 = vector.broadcast %div3A : f32 to vector<16xf32>
      %div3A_79 = arith.divf %add3A_77, %div3A_78 : vector<16xf32>
      %broadcast_in_dim3A = arith.constant 0 : i32
      %broadcast_in_dim3A_80 = vector.broadcast %broadcast_in_dim3A : i32 to vector<16xi32>
      %broadcast_in_dim3A_81 = arith.constant 16384 : i32
      %broadcast_in_dim3A_82 = vector.broadcast %broadcast_in_dim3A_81 : i32 to vector<16xi32>
      %sub3A = arith.subi %broadcast_in_dim3A_82, %broadcast_in_dim3A_80 : vector<16xi32>
      %shift_right_logical3A = arith.constant 1 : i32
      %shift_right_logical3A_83 = vector.broadcast %shift_right_logical3A : i32 to vector<16xi32>
      %shift_right_logical3A_84 = arith.shrui %sub3A, %shift_right_logical3A_83 : vector<16xi32>
      %add3A_85 = arith.addi %broadcast_in_dim3A_80, %shift_right_logical3A_84 : vector<16xi32>
      %gather3A = tpu.vector_load_idx %arg6[%add3A_85] : memref<16384xf32, #tpu.memory_space<vmem>>[vector<16xi32>], vector<16xf32>,
      %le3A = arith.cmpf ole, %div3A_79, %gather3A : vector<16xf32>
      %select_n3A = arith.select %le3A, %broadcast_in_dim3A_80, %add3A_85 : vector<16xi1>, vector<16xi32>
      %select_n3A_86 = arith.select %le3A, %add3A_85, %broadcast_in_dim3A_82 : vector<16xi1>, vector<16xi32>
      %sub3A_87 = arith.subi %select_n3A_86, %select_n3A : vector<16xi32>
      %shift_right_logical3A_88 = arith.constant 1 : i32
      %shift_right_logical3A_89 = vector.broadcast %shift_right_logical3A_88 : i32 to vector<16xi32>
      %shift_right_logical3A_90 = arith.shrui %sub3A_87, %shift_right_logical3A_89 : vector<16xi32>
      %add3A_91 = arith.addi %select_n3A, %shift_right_logical3A_90 : vector<16xi32>
      %gather3A_92 = tpu.vector_load_idx %arg6[%add3A_91] : memref<16384xf32, #tpu.memory_space<vmem>>[vector<16xi32>], vector<16xf32>,
      %le3A_93 = arith.cmpf ole, %div3A_79, %gather3A_92 : vector<16xf32>
      %select_n3A_94 = arith.select %le3A_93, %select_n3A, %add3A_91 : vector<16xi1>, vector<16xi32>
      %select_n3A_95 = arith.select %le3A_93, %add3A_91, %select_n3A_86 : vector<16xi1>, vector<16xi32>
      %sub3A_96 = arith.subi %select_n3A_95, %select_n3A_94 : vector<16xi32>
      %shift_right_logical3A_97 = arith.constant 1 : i32
      %shift_right_logical3A_98 = vector.broadcast %shift_right_logical3A_97 : i32 to vector<16xi32>
      %shift_right_logical3A_99 = arith.shrui %sub3A_96, %shift_right_logical3A_98 : vector<16xi32>
      %add3A_100 = arith.addi %select_n3A_94, %shift_right_logical3A_99 : vector<16xi32>
      %gather3A_101 = tpu.vector_load_idx %arg6[%add3A_100] : memref<16384xf32, #tpu.memory_space<vmem>>[vector<16xi32>], vector<16xf32>,
      %le3A_102 = arith.cmpf ole, %div3A_79, %gather3A_101 : vector<16xf32>
      %select_n3A_103 = arith.select %le3A_102, %select_n3A_94, %add3A_100 : vector<16xi1>, vector<16xi32>
      %select_n3A_104 = arith.select %le3A_102, %add3A_100, %select_n3A_95 : vector<16xi1>, vector<16xi32>
      %sub3A_105 = arith.subi %select_n3A_104, %select_n3A_103 : vector<16xi32>
      %shift_right_logical3A_106 = arith.constant 1 : i32
      %shift_right_logical3A_107 = vector.broadcast %shift_right_logical3A_106 : i32 to vector<16xi32>
      %shift_right_logical3A_108 = arith.shrui %sub3A_105, %shift_right_logical3A_107 : vector<16xi32>
      %add3A_109 = arith.addi %select_n3A_103, %shift_right_logical3A_108 : vector<16xi32>
      %gather3A_110 = tpu.vector_load_idx %arg6[%add3A_109] : memref<16384xf32, #tpu.memory_space<vmem>>[vector<16xi32>], vector<16xf32>,
      %le3A_111 = arith.cmpf ole, %div3A_79, %gather3A_110 : vector<16xf32>
      %select_n3A_112 = arith.select %le3A_111, %select_n3A_103, %add3A_109 : vector<16xi1>, vector<16xi32>
      %select_n3A_113 = arith.select %le3A_111, %add3A_109, %select_n3A_104 : vector<16xi1>, vector<16xi32>
      %sub3A_114 = arith.subi %select_n3A_113, %select_n3A_112 : vector<16xi32>
      %shift_right_logical3A_115 = arith.constant 1 : i32
      %shift_right_logical3A_116 = vector.broadcast %shift_right_logical3A_115 : i32 to vector<16xi32>
      %shift_right_logical3A_117 = arith.shrui %sub3A_114, %shift_right_logical3A_116 : vector<16xi32>
      %add3A_118 = arith.addi %select_n3A_112, %shift_right_logical3A_117 : vector<16xi32>
      %gather3A_119 = tpu.vector_load_idx %arg6[%add3A_118] : memref<16384xf32, #tpu.memory_space<vmem>>[vector<16xi32>], vector<16xf32>,
      %le3A_120 = arith.cmpf ole, %div3A_79, %gather3A_119 : vector<16xf32>
      %select_n3A_121 = arith.select %le3A_120, %select_n3A_112, %add3A_118 : vector<16xi1>, vector<16xi32>
      %select_n3A_122 = arith.select %le3A_120, %add3A_118, %select_n3A_113 : vector<16xi1>, vector<16xi32>
      %sub3A_123 = arith.subi %select_n3A_122, %select_n3A_121 : vector<16xi32>
      %shift_right_logical3A_124 = arith.constant 1 : i32
      %shift_right_logical3A_125 = vector.broadcast %shift_right_logical3A_124 : i32 to vector<16xi32>
      %shift_right_logical3A_126 = arith.shrui %sub3A_123, %shift_right_logical3A_125 : vector<16xi32>
      %add3A_127 = arith.addi %select_n3A_121, %shift_right_logical3A_126 : vector<16xi32>
      %gather3A_128 = tpu.vector_load_idx %arg6[%add3A_127] : memref<16384xf32, #tpu.memory_space<vmem>>[vector<16xi32>], vector<16xf32>,
      %le3A_129 = arith.cmpf ole, %div3A_79, %gather3A_128 : vector<16xf32>
      %select_n3A_130 = arith.select %le3A_129, %select_n3A_121, %add3A_127 : vector<16xi1>, vector<16xi32>
      %select_n3A_131 = arith.select %le3A_129, %add3A_127, %select_n3A_122 : vector<16xi1>, vector<16xi32>
      %sub3A_132 = arith.subi %select_n3A_131, %select_n3A_130 : vector<16xi32>
      %shift_right_logical3A_133 = arith.constant 1 : i32
      %shift_right_logical3A_134 = vector.broadcast %shift_right_logical3A_133 : i32 to vector<16xi32>
      %shift_right_logical3A_135 = arith.shrui %sub3A_132, %shift_right_logical3A_134 : vector<16xi32>
      %add3A_136 = arith.addi %select_n3A_130, %shift_right_logical3A_135 : vector<16xi32>
      %gather3A_137 = tpu.vector_load_idx %arg6[%add3A_136] : memref<16384xf32, #tpu.memory_space<vmem>>[vector<16xi32>], vector<16xf32>,
      %le3A_138 = arith.cmpf ole, %div3A_79, %gather3A_137 : vector<16xf32>
      %select_n3A_139 = arith.select %le3A_138, %select_n3A_130, %add3A_136 : vector<16xi1>, vector<16xi32>
      %select_n3A_140 = arith.select %le3A_138, %add3A_136, %select_n3A_131 : vector<16xi1>, vector<16xi32>
      %sub3A_141 = arith.subi %select_n3A_140, %select_n3A_139 : vector<16xi32>
      %shift_right_logical3A_142 = arith.constant 1 : i32
      %shift_right_logical3A_143 = vector.broadcast %shift_right_logical3A_142 : i32 to vector<16xi32>
      %shift_right_logical3A_144 = arith.shrui %sub3A_141, %shift_right_logical3A_143 : vector<16xi32>
      %add3A_145 = arith.addi %select_n3A_139, %shift_right_logical3A_144 : vector<16xi32>
      %gather3A_146 = tpu.vector_load_idx %arg6[%add3A_145] : memref<16384xf32, #tpu.memory_space<vmem>>[vector<16xi32>], vector<16xf32>,
      %le3A_147 = arith.cmpf ole, %div3A_79, %gather3A_146 : vector<16xf32>
      %select_n3A_148 = arith.select %le3A_147, %select_n3A_139, %add3A_145 : vector<16xi1>, vector<16xi32>
      %select_n3A_149 = arith.select %le3A_147, %add3A_145, %select_n3A_140 : vector<16xi1>, vector<16xi32>
      %sub3A_150 = arith.subi %select_n3A_149, %select_n3A_148 : vector<16xi32>
      %shift_right_logical3A_151 = arith.constant 1 : i32
      %shift_right_logical3A_152 = vector.broadcast %shift_right_logical3A_151 : i32 to vector<16xi32>
      %shift_right_logical3A_153 = arith.shrui %sub3A_150, %shift_right_logical3A_152 : vector<16xi32>
      %add3A_154 = arith.addi %select_n3A_148, %shift_right_logical3A_153 : vector<16xi32>
      %gather3A_155 = tpu.vector_load_idx %arg6[%add3A_154] : memref<16384xf32, #tpu.memory_space<vmem>>[vector<16xi32>], vector<16xf32>,
      %le3A_156 = arith.cmpf ole, %div3A_79, %gather3A_155 : vector<16xf32>
      %select_n3A_157 = arith.select %le3A_156, %select_n3A_148, %add3A_154 : vector<16xi1>, vector<16xi32>
      %select_n3A_158 = arith.select %le3A_156, %add3A_154, %select_n3A_149 : vector<16xi1>, vector<16xi32>
      %sub3A_159 = arith.subi %select_n3A_158, %select_n3A_157 : vector<16xi32>
      %shift_right_logical3A_160 = arith.constant 1 : i32
      %shift_right_logical3A_161 = vector.broadcast %shift_right_logical3A_160 : i32 to vector<16xi32>
      %shift_right_logical3A_162 = arith.shrui %sub3A_159, %shift_right_logical3A_161 : vector<16xi32>
      %add3A_163 = arith.addi %select_n3A_157, %shift_right_logical3A_162 : vector<16xi32>
      %gather3A_164 = tpu.vector_load_idx %arg6[%add3A_163] : memref<16384xf32, #tpu.memory_space<vmem>>[vector<16xi32>], vector<16xf32>,
      %le3A_165 = arith.cmpf ole, %div3A_79, %gather3A_164 : vector<16xf32>
      %select_n3A_166 = arith.select %le3A_165, %select_n3A_157, %add3A_163 : vector<16xi1>, vector<16xi32>
      %select_n3A_167 = arith.select %le3A_165, %add3A_163, %select_n3A_158 : vector<16xi1>, vector<16xi32>
      %sub3A_168 = arith.subi %select_n3A_167, %select_n3A_166 : vector<16xi32>
      %shift_right_logical3A_169 = arith.constant 1 : i32
      %shift_right_logical3A_170 = vector.broadcast %shift_right_logical3A_169 : i32 to vector<16xi32>
      %shift_right_logical3A_171 = arith.shrui %sub3A_168, %shift_right_logical3A_170 : vector<16xi32>
      %add3A_172 = arith.addi %select_n3A_166, %shift_right_logical3A_171 : vector<16xi32>
      %gather3A_173 = tpu.vector_load_idx %arg6[%add3A_172] : memref<16384xf32, #tpu.memory_space<vmem>>[vector<16xi32>], vector<16xf32>,
      %le3A_174 = arith.cmpf ole, %div3A_79, %gather3A_173 : vector<16xf32>
      %select_n3A_175 = arith.select %le3A_174, %select_n3A_166, %add3A_172 : vector<16xi1>, vector<16xi32>
      %select_n3A_176 = arith.select %le3A_174, %add3A_172, %select_n3A_167 : vector<16xi1>, vector<16xi32>
      %sub3A_177 = arith.subi %select_n3A_176, %select_n3A_175 : vector<16xi32>
      %shift_right_logical3A_178 = arith.constant 1 : i32
      %shift_right_logical3A_179 = vector.broadcast %shift_right_logical3A_178 : i32 to vector<16xi32>
      %shift_right_logical3A_180 = arith.shrui %sub3A_177, %shift_right_logical3A_179 : vector<16xi32>
      %add3A_181 = arith.addi %select_n3A_175, %shift_right_logical3A_180 : vector<16xi32>
      %gather3A_182 = tpu.vector_load_idx %arg6[%add3A_181] : memref<16384xf32, #tpu.memory_space<vmem>>[vector<16xi32>], vector<16xf32>,
      %le3A_183 = arith.cmpf ole, %div3A_79, %gather3A_182 : vector<16xf32>
      %select_n3A_184 = arith.select %le3A_183, %select_n3A_175, %add3A_181 : vector<16xi1>, vector<16xi32>
      %select_n3A_185 = arith.select %le3A_183, %add3A_181, %select_n3A_176 : vector<16xi1>, vector<16xi32>
      %sub3A_186 = arith.subi %select_n3A_185, %select_n3A_184 : vector<16xi32>
      %shift_right_logical3A_187 = arith.constant 1 : i32
      %shift_right_logical3A_188 = vector.broadcast %shift_right_logical3A_187 : i32 to vector<16xi32>
      %shift_right_logical3A_189 = arith.shrui %sub3A_186, %shift_right_logical3A_188 : vector<16xi32>
      %add3A_190 = arith.addi %select_n3A_184, %shift_right_logical3A_189 : vector<16xi32>
      %gather3A_191 = tpu.vector_load_idx %arg6[%add3A_190] : memref<16384xf32, #tpu.memory_space<vmem>>[vector<16xi32>], vector<16xf32>,
      %le3A_192 = arith.cmpf ole, %div3A_79, %gather3A_191 : vector<16xf32>
      %select_n3A_193 = arith.select %le3A_192, %select_n3A_184, %add3A_190 : vector<16xi1>, vector<16xi32>
      %select_n3A_194 = arith.select %le3A_192, %add3A_190, %select_n3A_185 : vector<16xi1>, vector<16xi32>
      %sub3A_195 = arith.subi %select_n3A_194, %select_n3A_193 : vector<16xi32>
      %shift_right_logical3A_196 = arith.constant 1 : i32
      %shift_right_logical3A_197 = vector.broadcast %shift_right_logical3A_196 : i32 to vector<16xi32>
      %shift_right_logical3A_198 = arith.shrui %sub3A_195, %shift_right_logical3A_197 : vector<16xi32>
      %add3A_199 = arith.addi %select_n3A_193, %shift_right_logical3A_198 : vector<16xi32>
      %gather3A_200 = tpu.vector_load_idx %arg6[%add3A_199] : memref<16384xf32, #tpu.memory_space<vmem>>[vector<16xi32>], vector<16xf32>,
      %le3A_201 = arith.cmpf ole, %div3A_79, %gather3A_200 : vector<16xf32>
      %select_n3A_202 = arith.select %le3A_201, %select_n3A_193, %add3A_199 : vector<16xi1>, vector<16xi32>
      %select_n3A_203 = arith.select %le3A_201, %add3A_199, %select_n3A_194 : vector<16xi1>, vector<16xi32>
      %sub3A_204 = arith.subi %select_n3A_203, %select_n3A_202 : vector<16xi32>
      %shift_right_logical3A_205 = arith.constant 1 : i32
      %shift_right_logical3A_206 = vector.broadcast %shift_right_logical3A_205 : i32 to vector<16xi32>
      %shift_right_logical3A_207 = arith.shrui %sub3A_204, %shift_right_logical3A_206 : vector<16xi32>
      %add3A_208 = arith.addi %select_n3A_202, %shift_right_logical3A_207 : vector<16xi32>
      %gather3A_209 = tpu.vector_load_idx %arg6[%add3A_208] : memref<16384xf32, #tpu.memory_space<vmem>>[vector<16xi32>], vector<16xf32>,
      %le3A_210 = arith.cmpf ole, %div3A_79, %gather3A_209 : vector<16xf32>
      %select_n3A_211 = arith.select %le3A_210, %select_n3A_202, %add3A_208 : vector<16xi1>, vector<16xi32>
      %select_n3A_212 = arith.select %le3A_210, %add3A_208, %select_n3A_203 : vector<16xi1>, vector<16xi32>
      %min3A = arith.constant 16383 : i32
      %min3A_213 = vector.broadcast %min3A : i32 to vector<16xi32>
      %min3A_214 = arith.minsi %select_n3A_212, %min3A_213 : vector<16xi32>
      %mul3A_215 = arith.constant 16 : i32
      %mul3A_216 = arith.muli %scan3A_71, %mul3A_215 : i32
      %swap3A = arith.index_cast %mul3A_216 : i32 to index
      %swap3A_217 = tpu.vector_load %arg8[%swap3A] {strides = array<i32>} : memref<512xi32, #tpu.memory_space<vmem>>, vector<16xi32>,
      tpu.vector_store %arg8[%swap3A], %min3A_214 {strides = array<i32>} : memref<512xi32, #tpu.memory_space<vmem>>, vector<16xi32>,
    }
    %scan3A_8 = arith.constant 32 : i32
    %dma_start3A = arith.constant 0 : i32
    %dma_start3A_9 = arith.constant 0 : i32
    %dma_start3A_10 = tpu.memref_slice %arg9[%dma_start3A, %dma_start3A_9] : memref<512x128xf32, #tpu.memory_space<vmem>> -> memref<128x128xf32, #tpu.memory_space<vmem>>
    %dma_start3A_11 = arith.constant 0 : i32
    %dma_start3A_12 = tpu.memref_slice %arg8[%dma_start3A_11] : memref<512xi32, #tpu.memory_space<vmem>> -> memref<128xi32, #tpu.memory_space<vmem>>
    %dma_start3A_13 = arith.constant 0 : i32
    %dma_start3A_14 = arith.constant 0 : i32
    %dma_start3A_15 = tpu.memref_slice %arg4[%dma_start3A_13, %dma_start3A_14] : memref<16384x128xf32, #tpu.memory_space<hbm>> -> memref<16384x128xf32, #tpu.memory_space<hbm>>
    tpu.enqueue_indirect_dma source(%dma_start3A_15 : memref<16384x128xf32, #tpu.memory_space<hbm>>) target(%dma_start3A_10 : memref<128x128xf32, #tpu.memory_space<vmem>>) offsets(%dma_start3A_12 : memref<128xi32, #tpu.memory_space<vmem>>) semaphore(%arg10 : memref<!tpu.dma_semaphore, #tpu.memory_space<semaphore_mem>>)
    %dma_start3A_16 = arith.constant 128 : i32
    %dma_start3A_17 = arith.constant 0 : i32
    %dma_start3A_18 = tpu.memref_slice %arg9[%dma_start3A_16, %dma_start3A_17] : memref<512x128xf32, #tpu.memory_space<vmem>> -> memref<128x128xf32, #tpu.memory_space<vmem>>
    %dma_start3A_19 = arith.constant 128 : i32
    %dma_start3A_20 = tpu.memref_slice %arg8[%dma_start3A_19] : memref<512xi32, #tpu.memory_space<vmem>> -> memref<128xi32, #tpu.memory_space<vmem>>
    %dma_start3A_21 = arith.constant 0 : i32
    %dma_start3A_22 = arith.constant 0 : i32
    %dma_start3A_23 = tpu.memref_slice %arg4[%dma_start3A_21, %dma_start3A_22] : memref<16384x128xf32, #tpu.memory_space<hbm>> -> memref<16384x128xf32, #tpu.memory_space<hbm>>
    tpu.enqueue_indirect_dma source(%dma_start3A_23 : memref<16384x128xf32, #tpu.memory_space<hbm>>) target(%dma_start3A_18 : memref<128x128xf32, #tpu.memory_space<vmem>>) offsets(%dma_start3A_20 : memref<128xi32, #tpu.memory_space<vmem>>) semaphore(%arg10 : memref<!tpu.dma_semaphore, #tpu.memory_space<semaphore_mem>>)
    %dma_start3A_24 = arith.constant 256 : i32
    %dma_start3A_25 = arith.constant 0 : i32
    %dma_start3A_26 = tpu.memref_slice %arg9[%dma_start3A_24, %dma_start3A_25] : memref<512x128xf32, #tpu.memory_space<vmem>> -> memref<128x128xf32, #tpu.memory_space<vmem>>
    %dma_start3A_27 = arith.constant 256 : i32
    %dma_start3A_28 = tpu.memref_slice %arg8[%dma_start3A_27] : memref<512xi32, #tpu.memory_space<vmem>> -> memref<128xi32, #tpu.memory_space<vmem>>
    %dma_start3A_29 = arith.constant 0 : i32
    %dma_start3A_30 = arith.constant 0 : i32
    %dma_start3A_31 = tpu.memref_slice %arg4[%dma_start3A_29, %dma_start3A_30] : memref<16384x128xf32, #tpu.memory_space<hbm>> -> memref<16384x128xf32, #tpu.memory_space<hbm>>
    tpu.enqueue_indirect_dma source(%dma_start3A_31 : memref<16384x128xf32, #tpu.memory_space<hbm>>) target(%dma_start3A_26 : memref<128x128xf32, #tpu.memory_space<vmem>>) offsets(%dma_start3A_28 : memref<128xi32, #tpu.memory_space<vmem>>) semaphore(%arg10 : memref<!tpu.dma_semaphore, #tpu.memory_space<semaphore_mem>>)
    %dma_start3A_32 = arith.constant 384 : i32
    %dma_start3A_33 = arith.constant 0 : i32
    %dma_start3A_34 = tpu.memref_slice %arg9[%dma_start3A_32, %dma_start3A_33] : memref<512x128xf32, #tpu.memory_space<vmem>> -> memref<128x128xf32, #tpu.memory_space<vmem>>
    %dma_start3A_35 = arith.constant 384 : i32
    %dma_start3A_36 = tpu.memref_slice %arg8[%dma_start3A_35] : memref<512xi32, #tpu.memory_space<vmem>> -> memref<128xi32, #tpu.memory_space<vmem>>
    %dma_start3A_37 = arith.constant 0 : i32
    %dma_start3A_38 = arith.constant 0 : i32
    %dma_start3A_39 = tpu.memref_slice %arg4[%dma_start3A_37, %dma_start3A_38] : memref<16384x128xf32, #tpu.memory_space<hbm>> -> memref<16384x128xf32, #tpu.memory_space<hbm>>
    tpu.enqueue_indirect_dma source(%dma_start3A_39 : memref<16384x128xf32, #tpu.memory_space<hbm>>) target(%dma_start3A_34 : memref<128x128xf32, #tpu.memory_space<vmem>>) offsets(%dma_start3A_36 : memref<128xi32, #tpu.memory_space<vmem>>) semaphore(%arg10 : memref<!tpu.dma_semaphore, #tpu.memory_space<semaphore_mem>>)
    %dma_wait3A = arith.constant 0 : i32
    %dma_wait3A_40 = arith.constant 0 : i32
    %dma_wait3A_41 = tpu.memref_slice %arg9[%dma_wait3A, %dma_wait3A_40] : memref<512x128xf32, #tpu.memory_space<vmem>> -> memref<128x128xf32, #tpu.memory_space<vmem>>
    %dma_wait3A_42 = arith.constant 0 : i32
    %dma_wait3A_43 = tpu.memref_slice %arg8[%dma_wait3A_42] : memref<512xi32, #tpu.memory_space<vmem>> -> memref<128xi32, #tpu.memory_space<vmem>>
    %dma_wait3A_44 = arith.constant 0 : i32
    %dma_wait3A_45 = arith.constant 0 : i32
    %dma_wait3A_46 = tpu.memref_slice %arg4[%dma_wait3A_44, %dma_wait3A_45] : memref<16384x128xf32, #tpu.memory_space<hbm>> -> memref<16384x128xf32, #tpu.memory_space<hbm>>
    tpu.wait_indirect_dma semaphore(%arg10 : memref<!tpu.dma_semaphore, #tpu.memory_space<semaphore_mem>>) src(%dma_wait3A_46 : memref<16384x128xf32, #tpu.memory_space<hbm>>) dst(%dma_wait3A_41 : memref<128x128xf32, #tpu.memory_space<vmem>>)
    %dma_wait3A_47 = arith.constant 128 : i32
    %dma_wait3A_48 = arith.constant 0 : i32
    %dma_wait3A_49 = tpu.memref_slice %arg9[%dma_wait3A_47, %dma_wait3A_48] : memref<512x128xf32, #tpu.memory_space<vmem>> -> memref<128x128xf32, #tpu.memory_space<vmem>>
    %dma_wait3A_50 = arith.constant 128 : i32
    %dma_wait3A_51 = tpu.memref_slice %arg8[%dma_wait3A_50] : memref<512xi32, #tpu.memory_space<vmem>> -> memref<128xi32, #tpu.memory_space<vmem>>
    %dma_wait3A_52 = arith.constant 0 : i32
    %dma_wait3A_53 = arith.constant 0 : i32
    %dma_wait3A_54 = tpu.memref_slice %arg4[%dma_wait3A_52, %dma_wait3A_53] : memref<16384x128xf32, #tpu.memory_space<hbm>> -> memref<16384x128xf32, #tpu.memory_space<hbm>>
    tpu.wait_indirect_dma semaphore(%arg10 : memref<!tpu.dma_semaphore, #tpu.memory_space<semaphore_mem>>) src(%dma_wait3A_54 : memref<16384x128xf32, #tpu.memory_space<hbm>>) dst(%dma_wait3A_49 : memref<128x128xf32, #tpu.memory_space<vmem>>)
    %dma_wait3A_55 = arith.constant 256 : i32
    %dma_wait3A_56 = arith.constant 0 : i32
    %dma_wait3A_57 = tpu.memref_slice %arg9[%dma_wait3A_55, %dma_wait3A_56] : memref<512x128xf32, #tpu.memory_space<vmem>> -> memref<128x128xf32, #tpu.memory_space<vmem>>
    %dma_wait3A_58 = arith.constant 256 : i32
    %dma_wait3A_59 = tpu.memref_slice %arg8[%dma_wait3A_58] : memref<512xi32, #tpu.memory_space<vmem>> -> memref<128xi32, #tpu.memory_space<vmem>>
    %dma_wait3A_60 = arith.constant 0 : i32
    %dma_wait3A_61 = arith.constant 0 : i32
    %dma_wait3A_62 = tpu.memref_slice %arg4[%dma_wait3A_60, %dma_wait3A_61] : memref<16384x128xf32, #tpu.memory_space<hbm>> -> memref<16384x128xf32, #tpu.memory_space<hbm>>
    tpu.wait_indirect_dma semaphore(%arg10 : memref<!tpu.dma_semaphore, #tpu.memory_space<semaphore_mem>>) src(%dma_wait3A_62 : memref<16384x128xf32, #tpu.memory_space<hbm>>) dst(%dma_wait3A_57 : memref<128x128xf32, #tpu.memory_space<vmem>>)
    %dma_wait3A_63 = arith.constant 384 : i32
    %dma_wait3A_64 = arith.constant 0 : i32
    %dma_wait3A_65 = tpu.memref_slice %arg9[%dma_wait3A_63, %dma_wait3A_64] : memref<512x128xf32, #tpu.memory_space<vmem>> -> memref<128x128xf32, #tpu.memory_space<vmem>>
    %dma_wait3A_66 = arith.constant 384 : i32
    %dma_wait3A_67 = tpu.memref_slice %arg8[%dma_wait3A_66] : memref<512xi32, #tpu.memory_space<vmem>> -> memref<128xi32, #tpu.memory_space<vmem>>
    %dma_wait3A_68 = arith.constant 0 : i32
    %dma_wait3A_69 = arith.constant 0 : i32
    %dma_wait3A_70 = tpu.memref_slice %arg4[%dma_wait3A_68, %dma_wait3A_69] : memref<16384x128xf32, #tpu.memory_space<hbm>> -> memref<16384x128xf32, #tpu.memory_space<hbm>>
    tpu.wait_indirect_dma semaphore(%arg10 : memref<!tpu.dma_semaphore, #tpu.memory_space<semaphore_mem>>) src(%dma_wait3A_70 : memref<16384x128xf32, #tpu.memory_space<hbm>>) dst(%dma_wait3A_65 : memref<128x128xf32, #tpu.memory_space<vmem>>)
    "tpu.region"() ({
      %run_scoped3A = tpu.sem_alloc : memref<!tpu.dma_semaphore, #tpu.memory_space<semaphore_mem>>
      %dma_start3A_71 = arith.constant 0 : i32
      %dma_start3A_72 = tpu.memref_slice %arg5[%mul3A_2, %dma_start3A_71] : memref<16384x128xf32, #tpu.memory_space<hbm>> -> memref<512x128xf32, #tpu.memory_space<hbm>>
      %dma_start3A_73 = arith.constant 0 : i32
      %dma_start3A_74 = tpu.memref_slice %arg5[%mul3A_2, %dma_start3A_73] : memref<16384x128xf32, #tpu.memory_space<hbm>> -> memref<512x128xf32, #tpu.memory_space<hbm>>
      tpu.enqueue_dma source(%arg9 : memref<512x128xf32, #tpu.memory_space<vmem>>) target(%dma_start3A_74 : memref<512x128xf32, #tpu.memory_space<hbm>>) target_semaphore(%run_scoped3A : memref<!tpu.dma_semaphore, #tpu.memory_space<semaphore_mem>>)
      %dma_wait3A_75 = arith.constant 0 : i32
      %dma_wait3A_76 = tpu.memref_slice %arg5[%mul3A_2, %dma_wait3A_75] : memref<16384x128xf32, #tpu.memory_space<hbm>> -> memref<512x128xf32, #tpu.memory_space<hbm>>
      %dma_wait3A_77 = arith.constant 0 : i32
      %dma_wait3A_78 = tpu.memref_slice %arg5[%mul3A_2, %dma_wait3A_77] : memref<16384x128xf32, #tpu.memory_space<hbm>> -> memref<512x128xf32, #tpu.memory_space<hbm>>
      tpu.wait_dma2 semaphore(%run_scoped3A : memref<!tpu.dma_semaphore, #tpu.memory_space<semaphore_mem>>) src(%arg9 : memref<512x128xf32, #tpu.memory_space<vmem>>) dst(%dma_wait3A_78 : memref<512x128xf32, #tpu.memory_space<hbm>>)
      tpu.yield
    }) : () -> ()
    return
  }
}

module attributes {stable_mosaic.version = 14 : i64} {
  func.func @_tc_body(%arg0: i32, %arg1: memref<2048x128xf32, #tpu.memory_space<vmem>>, %arg2: memref<2048x128xbf16, #tpu.memory_space<vmem>>, %arg3: memref<1x1x2048xf32, #tpu.memory_space<vmem>>, %arg4: memref<128x128xf32, #tpu.memory_space<vmem>>, %arg5: memref<128x128xf32, #tpu.memory_space<vmem>>, %arg6: memref<128x128xf32, #tpu.memory_space<vmem>>, %arg7: memref<1x128xf32, #tpu.memory_space<vmem>>, %arg8: memref<1x128xf32, #tpu.memory_space<vmem>>, %arg9: memref<1x128xf32, #tpu.memory_space<vmem>>, %arg10: memref<1x128xf32, #tpu.memory_space<vmem>>, %arg11: memref<1x128xf32, #tpu.memory_space<vmem>>, %arg12: memref<2048x128xf32, #tpu.memory_space<vmem>>, %arg13: memref<1x1x2048xf32, #tpu.memory_space<vmem>>) attributes {dimension_semantics = [#tpu.dimension_semantics<arbitrary>], iteration_bounds = array<i64: 8>, scalar_prefetch = 0 : i64, scratch_operands = 0 : i64, tpu.core_type = #tpu.core_type<tc>, window_params = [{transform_indices = @transform_0, window_bounds = array<i64: 2048, 128>}, {transform_indices = @transform_1, window_bounds = array<i64: 2048, 128>}, {transform_indices = @transform_2, window_bounds = array<i64: 1, 1, 2048>}, {pipeline_mode = #tpu.pipeline_mode<synchronous>, transform_indices = @transform_3, window_bounds = array<i64: 128, 128>}, {pipeline_mode = #tpu.pipeline_mode<synchronous>, transform_indices = @transform_4, window_bounds = array<i64: 128, 128>}, {pipeline_mode = #tpu.pipeline_mode<synchronous>, transform_indices = @transform_5, window_bounds = array<i64: 128, 128>}, {pipeline_mode = #tpu.pipeline_mode<synchronous>, transform_indices = @transform_6, window_bounds = array<i64: 1, 128>}, {pipeline_mode = #tpu.pipeline_mode<synchronous>, transform_indices = @transform_7, window_bounds = array<i64: 1, 128>}, {pipeline_mode = #tpu.pipeline_mode<synchronous>, transform_indices = @transform_8, window_bounds = array<i64: 1, 128>}, {pipeline_mode = #tpu.pipeline_mode<synchronous>, transform_indices = @transform_9, window_bounds = array<i64: 1, 128>}, {pipeline_mode = #tpu.pipeline_mode<synchronous>, transform_indices = @transform_10, window_bounds = array<i64: 1, 128>}, {transform_indices = @transform_11, window_bounds = array<i64: 2048, 128>}, {transform_indices = @transform_12, window_bounds = array<i64: 1, 1, 2048>}]} {
    %get3A = arith.constant 0 : index
    %get3A_0 = arith.constant 0 : index
    %get3A_1 = vector.load %arg1[%get3A, %get3A_0] : memref<2048x128xf32, #tpu.memory_space<vmem>>, vector<2048x128xf32>
    %get3A_2 = arith.constant 0 : index
    %get3A_3 = arith.constant 0 : index
    %get3A_4 = vector.load %arg7[%get3A_2, %get3A_3] : memref<1x128xf32, #tpu.memory_space<vmem>>, vector<1x128xf32>
    %get3A_5 = arith.constant 0 : index
    %get3A_6 = arith.constant 0 : index
    %get3A_7 = vector.load %arg10[%get3A_5, %get3A_6] : memref<1x128xf32, #tpu.memory_space<vmem>>, vector<1x128xf32>
    %get3A_8 = arith.constant 0 : index
    %get3A_9 = arith.constant 0 : index
    %get3A_10 = vector.load %arg9[%get3A_8, %get3A_9] : memref<1x128xf32, #tpu.memory_space<vmem>>, vector<1x128xf32>
    %get3A_11 = arith.constant 0 : index
    %get3A_12 = arith.constant 0 : index
    %get3A_13 = vector.load %arg11[%get3A_11, %get3A_12] : memref<1x128xf32, #tpu.memory_space<vmem>>, vector<1x128xf32>
    %get3A_14 = arith.constant 0 : index
    %get3A_15 = arith.constant 0 : index
    %get3A_16 = vector.load %arg4[%get3A_14, %get3A_15] : memref<128x128xf32, #tpu.memory_space<vmem>>, vector<128x128xf32>
    %dot_general3A = arith.constant dense<0.000000e+00> : vector<2048x128xf32>
    %dot_general3A_17 = tpu.matmul %get3A_1, %get3A_16, %dot_general3A {dimension_numbers = #tpu.dot_dimension_numbers<[1], [0], [0], [1], [0, 0, 1, 1], [], []>, transpose_lhs_hint = false} : vector<2048x128xf32>, vector<128x128xf32>, vector<2048x128xf32> -> vector<2048x128xf32>
    %add3A = vector.broadcast %get3A_4 : vector<1x128xf32> to vector<2048x128xf32>
    %add3A_18 = arith.addf %dot_general3A_17, %add3A : vector<2048x128xf32>
    %exp3A = math.exp %get3A_7 : vector<1x128xf32>
    %get3A_19 = arith.constant 0 : index
    %get3A_20 = arith.constant 0 : index
    %get3A_21 = vector.load %arg2[%get3A_19, %get3A_20] : memref<2048x128xbf16, #tpu.memory_space<vmem>>, vector<2048x128xbf16>
    %convert_element_type3A = arith.extf %get3A_21 : vector<2048x128xbf16> to vector<2048x128xf32>
    %mul3A = vector.broadcast %exp3A : vector<1x128xf32> to vector<2048x128xf32>
    %mul3A_22 = arith.mulf %mul3A, %convert_element_type3A : vector<2048x128xf32>
    %add3A_23 = arith.addf %add3A_18, %mul3A_22 : vector<2048x128xf32>
    %get3A_24 = arith.constant 0 : index
    %get3A_25 = arith.constant 0 : index
    %get3A_26 = vector.load %arg5[%get3A_24, %get3A_25] : memref<128x128xf32, #tpu.memory_space<vmem>>, vector<128x128xf32>
    %dot_general3A_27 = arith.constant dense<0.000000e+00> : vector<2048x128xf32>
    %dot_general3A_28 = tpu.matmul %get3A_1, %get3A_26, %dot_general3A_27 {dimension_numbers = #tpu.dot_dimension_numbers<[1], [0], [0], [1], [0, 0, 1, 1], [], []>, transpose_lhs_hint = false} : vector<2048x128xf32>, vector<128x128xf32>, vector<2048x128xf32> -> vector<2048x128xf32>
    %add3A_29 = vector.broadcast %get3A_4 : vector<1x128xf32> to vector<2048x128xf32>
    %add3A_30 = arith.addf %dot_general3A_28, %add3A_29 : vector<2048x128xf32>
    %sub3A = arith.subf %add3A_23, %add3A_30 : vector<2048x128xf32>
    %neg3A = arith.constant 0.000000e+00 : f32
    %neg3A_31 = vector.broadcast %neg3A : f32 to vector<1x128xf32>
    %neg3A_32 = arith.subf %neg3A_31, %get3A_10 : vector<1x128xf32>
    %exp3A_33 = math.exp %neg3A_32 : vector<1x128xf32>
    %mul3A_34 = vector.broadcast %exp3A_33 : vector<1x128xf32> to vector<2048x128xf32>
    %mul3A_35 = arith.mulf %sub3A, %mul3A_34 : vector<2048x128xf32>
    %mul3A_36 = arith.mulf %mul3A_35, %mul3A_35 : vector<2048x128xf32>
    %reduce_sum3A = arith.constant dense<0.000000e+00> : vector<2048xf32>
    %reduce_sum3A_37 = vector.multi_reduction <add>, %mul3A_36, %reduce_sum3A [1] : vector<2048x128xf32> to vector<2048xf32>
    %mul3A_38 = arith.constant -5.000000e-01 : f32
    %mul3A_39 = vector.broadcast %mul3A_38 : f32 to vector<2048xf32>
    %mul3A_40 = arith.mulf %mul3A_39, %reduce_sum3A_37 : vector<2048xf32>
    %reduce_sum3A_41 = vector.shape_cast %get3A_10 : vector<1x128xf32> to vector<1x1x128xf32>
    %reduce_sum3A_42 = arith.constant dense<0.000000e+00> : vector<1xf32>
    %reduce_sum3A_43 = vector.multi_reduction <add>, %reduce_sum3A_41, %reduce_sum3A_42 [1, 2] : vector<1x1x128xf32> to vector<1xf32>
    %reduce_sum3A_44 = vector.shape_cast %reduce_sum3A_43 : vector<1xf32> to vector<1x1x1xf32>
    %reduce_sum3A_45 = vector.extract %reduce_sum3A_44[0, 0, 0] : f32 from vector<1x1x1xf32>
    %add3A_46 = arith.constant 117.62413 : f32
    %add3A_47 = arith.addf %reduce_sum3A_45, %add3A_46 : f32
    %sub3A_48 = vector.broadcast %add3A_47 : f32 to vector<2048xf32>
    %sub3A_49 = arith.subf %mul3A_40, %sub3A_48 : vector<2048xf32>
    %sub3A_50 = arith.subf %add3A_23, %add3A_18 : vector<2048x128xf32>
    %neg3A_51 = arith.constant 0.000000e+00 : f32
    %neg3A_52 = vector.broadcast %neg3A_51 : f32 to vector<1x128xf32>
    %neg3A_53 = arith.subf %neg3A_52, %get3A_7 : vector<1x128xf32>
    %exp3A_54 = math.exp %neg3A_53 : vector<1x128xf32>
    %mul3A_55 = vector.broadcast %exp3A_54 : vector<1x128xf32> to vector<2048x128xf32>
    %mul3A_56 = arith.mulf %sub3A_50, %mul3A_55 : vector<2048x128xf32>
    %mul3A_57 = arith.mulf %mul3A_56, %mul3A_56 : vector<2048x128xf32>
    %reduce_sum3A_58 = arith.constant dense<0.000000e+00> : vector<2048xf32>
    %reduce_sum3A_59 = vector.multi_reduction <add>, %mul3A_57, %reduce_sum3A_58 [1] : vector<2048x128xf32> to vector<2048xf32>
    %mul3A_60 = arith.constant -5.000000e-01 : f32
    %mul3A_61 = vector.broadcast %mul3A_60 : f32 to vector<2048xf32>
    %mul3A_62 = arith.mulf %mul3A_61, %reduce_sum3A_59 : vector<2048xf32>
    %reduce_sum3A_63 = vector.shape_cast %get3A_7 : vector<1x128xf32> to vector<1x1x128xf32>
    %reduce_sum3A_64 = arith.constant dense<0.000000e+00> : vector<1xf32>
    %reduce_sum3A_65 = vector.multi_reduction <add>, %reduce_sum3A_63, %reduce_sum3A_64 [1, 2] : vector<1x1x128xf32> to vector<1xf32>
    %reduce_sum3A_66 = vector.shape_cast %reduce_sum3A_65 : vector<1xf32> to vector<1x1x1xf32>
    %reduce_sum3A_67 = vector.extract %reduce_sum3A_66[0, 0, 0] : f32 from vector<1x1x1xf32>
    %add3A_68 = arith.constant 117.62413 : f32
    %add3A_69 = arith.addf %reduce_sum3A_67, %add3A_68 : f32
    %sub3A_70 = vector.broadcast %add3A_69 : f32 to vector<2048xf32>
    %sub3A_71 = arith.subf %mul3A_62, %sub3A_70 : vector<2048xf32>
    %get3A_72 = arith.constant 0 : index
    %get3A_73 = arith.constant 0 : index
    %get3A_74 = vector.load %arg6[%get3A_72, %get3A_73] : memref<128x128xf32, #tpu.memory_space<vmem>>, vector<128x128xf32>
    %dot_general3A_75 = arith.constant dense<0.000000e+00> : vector<2048x128xf32>
    %dot_general3A_76 = tpu.matmul %add3A_23, %get3A_74, %dot_general3A_75 {dimension_numbers = #tpu.dot_dimension_numbers<[1], [0], [0], [1], [0, 0, 1, 1], [], []>, transpose_lhs_hint = false} : vector<2048x128xf32>, vector<128x128xf32>, vector<2048x128xf32> -> vector<2048x128xf32>
    %get3A_77 = arith.constant 0 : index
    %get3A_78 = arith.constant 0 : index
    %get3A_79 = vector.load %arg8[%get3A_77, %get3A_78] : memref<1x128xf32, #tpu.memory_space<vmem>>, vector<1x128xf32>
    %sub3A_80 = vector.broadcast %get3A_79 : vector<1x128xf32> to vector<2048x128xf32>
    %sub3A_81 = arith.subf %sub3A_80, %dot_general3A_76 : vector<2048x128xf32>
    %neg3A_82 = arith.constant 0.000000e+00 : f32
    %neg3A_83 = vector.broadcast %neg3A_82 : f32 to vector<1x128xf32>
    %neg3A_84 = arith.subf %neg3A_83, %get3A_13 : vector<1x128xf32>
    %exp3A_85 = math.exp %neg3A_84 : vector<1x128xf32>
    %mul3A_86 = vector.broadcast %exp3A_85 : vector<1x128xf32> to vector<2048x128xf32>
    %mul3A_87 = arith.mulf %sub3A_81, %mul3A_86 : vector<2048x128xf32>
    %mul3A_88 = arith.mulf %mul3A_87, %mul3A_87 : vector<2048x128xf32>
    %reduce_sum3A_89 = arith.constant dense<0.000000e+00> : vector<2048xf32>
    %reduce_sum3A_90 = vector.multi_reduction <add>, %mul3A_88, %reduce_sum3A_89 [1] : vector<2048x128xf32> to vector<2048xf32>
    %mul3A_91 = arith.constant -5.000000e-01 : f32
    %mul3A_92 = vector.broadcast %mul3A_91 : f32 to vector<2048xf32>
    %mul3A_93 = arith.mulf %mul3A_92, %reduce_sum3A_90 : vector<2048xf32>
    %reduce_sum3A_94 = vector.shape_cast %get3A_13 : vector<1x128xf32> to vector<1x1x128xf32>
    %reduce_sum3A_95 = arith.constant dense<0.000000e+00> : vector<1xf32>
    %reduce_sum3A_96 = vector.multi_reduction <add>, %reduce_sum3A_94, %reduce_sum3A_95 [1, 2] : vector<1x1x128xf32> to vector<1xf32>
    %reduce_sum3A_97 = vector.shape_cast %reduce_sum3A_96 : vector<1xf32> to vector<1x1x1xf32>
    %reduce_sum3A_98 = vector.extract %reduce_sum3A_97[0, 0, 0] : f32 from vector<1x1x1xf32>
    %add3A_99 = arith.constant 117.62413 : f32
    %add3A_100 = arith.addf %reduce_sum3A_98, %add3A_99 : f32
    %sub3A_101 = vector.broadcast %add3A_100 : f32 to vector<2048xf32>
    %sub3A_102 = arith.subf %mul3A_93, %sub3A_101 : vector<2048xf32>
    %swap3A = arith.constant 0 : index
    %swap3A_103 = arith.constant 0 : index
    %swap3A_104 = vector.load %arg12[%swap3A, %swap3A_103] : memref<2048x128xf32, #tpu.memory_space<vmem>>, vector<2048x128xf32>
    tpu.vector_store %arg12[%swap3A, %swap3A_103], %add3A_23 {strides = array<i32>} : memref<2048x128xf32, #tpu.memory_space<vmem>>, vector<2048x128xf32>,
    %add3A_105 = arith.addf %sub3A_49, %sub3A_102 : vector<2048xf32>
    %sub3A_106 = arith.subf %add3A_105, %sub3A_71 : vector<2048xf32>
    %get3A_107 = arith.constant 0 : index
    %get3A_108 = arith.constant 0 : index
    %get3A_109 = arith.constant 0 : index
    %get3A_110 = vector.load %arg3[%get3A_107, %get3A_108, %get3A_109] : memref<1x1x2048xf32, #tpu.memory_space<vmem>>, vector<1x1x2048xf32>
    %reshape3A = vector.shape_cast %sub3A_106 : vector<2048xf32> to vector<1x1x2048xf32>
    %add3A_111 = arith.addf %get3A_110, %reshape3A : vector<1x1x2048xf32>
    %swap3A_112 = arith.constant 0 : index
    %swap3A_113 = arith.constant 0 : index
    %swap3A_114 = arith.constant 0 : index
    %swap3A_115 = vector.load %arg13[%swap3A_112, %swap3A_113, %swap3A_114] : memref<1x1x2048xf32, #tpu.memory_space<vmem>>, vector<1x1x2048xf32>
    tpu.vector_store %arg13[%swap3A_112, %swap3A_113, %swap3A_114], %add3A_111 {strides = array<i32>} : memref<1x1x2048xf32, #tpu.memory_space<vmem>>, vector<1x1x2048xf32>,
    return
  }
  func.func @transform_0(%arg0: i32) -> (i32, i32) {
    %c0_i32 = arith.constant 0 : i32
    %c0_i32_0 = arith.constant 0 : i32
    return %arg0, %c0_i32 : i32, i32
  }
  func.func @transform_1(%arg0: i32) -> (i32, i32) {
    %c0_i32 = arith.constant 0 : i32
    %c0_i32_0 = arith.constant 0 : i32
    return %arg0, %c0_i32 : i32, i32
  }
  func.func @transform_2(%arg0: i32) -> (i32, i32, i32) {
    %c0_i32 = arith.constant 0 : i32
    %c0_i32_0 = arith.constant 0 : i32
    %c0_i32_1 = arith.constant 0 : i32
    return %arg0, %c0_i32, %c0_i32_0 : i32, i32, i32
  }
  func.func @transform_3(%arg0: i32) -> (i32, i32) {
    %c0_i32 = arith.constant 0 : i32
    %c0_i32_0 = arith.constant 0 : i32
    %c0_i32_1 = arith.constant 0 : i32
    return %c0_i32, %c0_i32_0 : i32, i32
  }
  func.func @transform_4(%arg0: i32) -> (i32, i32) {
    %c0_i32 = arith.constant 0 : i32
    %c0_i32_0 = arith.constant 0 : i32
    %c0_i32_1 = arith.constant 0 : i32
    return %c0_i32, %c0_i32_0 : i32, i32
  }
  func.func @transform_5(%arg0: i32) -> (i32, i32) {
    %c0_i32 = arith.constant 0 : i32
    %c0_i32_0 = arith.constant 0 : i32
    %c0_i32_1 = arith.constant 0 : i32
    return %c0_i32, %c0_i32_0 : i32, i32
  }
  func.func @transform_6(%arg0: i32) -> (i32, i32) {
    %c0_i32 = arith.constant 0 : i32
    %c0_i32_0 = arith.constant 0 : i32
    %c0_i32_1 = arith.constant 0 : i32
    return %c0_i32, %c0_i32_0 : i32, i32
  }
  func.func @transform_7(%arg0: i32) -> (i32, i32) {
    %c0_i32 = arith.constant 0 : i32
    %c0_i32_0 = arith.constant 0 : i32
    %c0_i32_1 = arith.constant 0 : i32
    return %c0_i32, %c0_i32_0 : i32, i32
  }
  func.func @transform_8(%arg0: i32) -> (i32, i32) {
    %c0_i32 = arith.constant 0 : i32
    %c0_i32_0 = arith.constant 0 : i32
    %c0_i32_1 = arith.constant 0 : i32
    return %c0_i32, %c0_i32_0 : i32, i32
  }
  func.func @transform_9(%arg0: i32) -> (i32, i32) {
    %c0_i32 = arith.constant 0 : i32
    %c0_i32_0 = arith.constant 0 : i32
    %c0_i32_1 = arith.constant 0 : i32
    return %c0_i32, %c0_i32_0 : i32, i32
  }
  func.func @transform_10(%arg0: i32) -> (i32, i32) {
    %c0_i32 = arith.constant 0 : i32
    %c0_i32_0 = arith.constant 0 : i32
    %c0_i32_1 = arith.constant 0 : i32
    return %c0_i32, %c0_i32_0 : i32, i32
  }
  func.func @transform_11(%arg0: i32) -> (i32, i32) {
    %c0_i32 = arith.constant 0 : i32
    %c0_i32_0 = arith.constant 0 : i32
    return %arg0, %c0_i32 : i32, i32
  }
  func.func @transform_12(%arg0: i32) -> (i32, i32, i32) {
    %c0_i32 = arith.constant 0 : i32
    %c0_i32_0 = arith.constant 0 : i32
    %c0_i32_1 = arith.constant 0 : i32
    return %arg0, %c0_i32, %c0_i32_0 : i32, i32, i32
  }
}

</mosaic_0001>

<sc_bundles>
// kernel: kernel.4.cloned.1.call-start
scs
__scs_entry_jumppad:
0x0: {  	(pc) =	sbr.rel $0x88, $3  }
0x1: {  	(tag) =	ssettag $0x0;
	lr =	simm.s32 $0x1  }
0x2: {  	[smem:$0x3F97] =	sst lr;
	_ =	strace $0xD0000000  }
0x3: {  	_ = 	snop  }
0x4: {  	_ = 	snop  }
0x5: {  	_ = 	snop  }
0x6: {  	_ = 	snop  }
0x7: {  	_ = 	snop  }
__scs_overlays_trampoline_lowered:
0x8: {  	[smem:$0x3FA6] =	sst s0  }
0x9: {  	[smem:$0x3FA7] =	sst s1  }
0xa: {  	[smem:$0x3FA8] =	sst s2  }
0xb: {  	[smem:$0x3FA9] =	sst s3  }
0xc: {  	[smem:$0x3FAA] =	sst s4  }
0xd: {  	[smem:$0x3FAB] =	sst s5  }
0xe: {  	[smem:$0x3FAC] =	sst s6  }
0xf: {  	[smem:$0x3FAD] =	sst s7  }
0x10: {  	[smem:$0x3FAE] =	sst s8  }
0x11: {  	[smem:$0x3FAF] =	sst s9;
	s0 =	simm.s32 @!p0 $0x0  }
0x12: {  	s1 =	sld [smem:$0x3F95];
	s0 =	simm.s32 @p0 $0x1  }
0x13: {  	[smem:$0x3FB0] =	sst s0;
	s0 =	simm.s32 @!p1 $0x0  }
0x14: {  	s2 =	sld [smem:$0x3F94];
	s0 =	simm.s32 @p1 $0x1  }
0x15: {  	[smem:$0x3FB1] =	sst s0;
	s0 =	simm.s32 @!p2 $0x0  }
0x16: {  	s3 =	sld [smem:$0x3FDB];
	s0 =	simm.s32 @p2 $0x1  }
0x17: {  	s4 =	simm.s32 $0x1BF5;
	[smem:$0x3FB3] =	sst s0  }
0x18: {  	s0 =	sld [smem:$0x3F96];
	_ =	swait.ge [sflag:s4], $0x0  }
0x19: {  	s7 =	sld [smem:$0x3F97]  }
0x1a: {  	s8 =	sadd.s32 $0xFFFFE003, lr  }
0x1b: {  	s9 =	sadd.s32 $0xFFFFFEF7, lr;
	s5 =	simm.s32 $0xFFFFFFFF;
	p2 =	slt.u32 s8, $0xFFFFF086  }
0x1c: {  	p1 =	slt.u32 s9, $0xF7A;
	s5 =	simm.s32 @!p2 $0x0  }
0x1d: {  	s5 =	simm.s32 @p1 $0x1;
	p0 =	seq.s32 s7, s2  }
0x1e: {  	s7 =	smul.u32 @!p0 $0xF7A, s2;
	p2 =	seq.s32 @!p0 s5, $0x0  }
0x1f: {  	s9 =	smul.u32 $0xF7A, s1;
	s8 =	simm.s32 @!p0 $0x1BF5;
	p2 =	por !p2, p0  }
0x20: {  	[sflag:s8] =	ssyncset.s32 @!p0 $0xFFFFF086;
	s6 =	sadd.s32 @!p0 s3, s7;
	s7 =	simm.s32 @!p0 $0x108  }
0x21: {  	s3 =	sadd.s32 s3, s9;
	s6 =	sadd.s32 @!p0 $0x88, s6;
	s7 =	simm.s32 @p2 $0x1082  }
0x22: {  	[simem:s7], [sflag:s8] =	dma.local @!p0 [hbm:s6], $0xF7A  }
0x23: {  	s9 =	sor.u32 $0xD0000000, s2;
	s6 =	simm.s32 $0x108;
	_ =	swait.ge @!p0 [sflag:s8], $0x0  }
0x24: {  	s3 =	sadd.s32 $0x88, s3;
	s6 =	simm.s32 @!p1 $0x1082;
	[sflag:s4] =	ssyncset.s32 $0xFFFFF086  }
0x25: {  	[simem:s6], [sflag:s4] =	dma.local [hbm:s3], $0xF7A  }
0x26: {  	[smem:$0x3F97] =	sst s1;
	(tag) =	ssettag s2;
	_ =	strace s9  }
0x27: {  	s1 =	sld [smem:$0x3FA7]  }
0x28: {  	s2 =	sld [smem:$0x3FA8]  }
0x29: {  	s4 =	sld [smem:$0x3FAA]  }
0x2a: {  	p0 =	seq.s32 s5, $0x0;
	s5 =	sld [smem:$0x3FAB]  }
0x2b: {  	s6 =	sld [smem:$0x3FAC]  }
0x2c: {  	s7 =	sld [smem:$0x3FAD]  }
0x2d: {  	s3 =	simm.s32 $0x108;
	s8 =	sld [smem:$0x3FAE]  }
0x2e: {  	s3 =	simm.s32 @!p0 $0x1082;
	s9 =	sld [smem:$0x3FAF]  }
0x2f: {  	lr =	sadd.s32 s0, s3;
	s0 =	sld [smem:$0x3FA6]  }
0x30: {  	s3 =	sld [smem:$0x3FA9]  }
0x31: {  	[smem:$0x3FB2] =	sst s10  }
0x32: {  	s10 =	sld [smem:$0x3FB0];
	_ =	sdelay $0x3  }
0x33: {  	p0 =	seq.s32 s10, $0x1;
	s10 =	sld [smem:$0x3FB2];
	_ =	sdelay $0x3  }
0x34: {  	[smem:$0x3FB2] =	sst s10  }
0x35: {  	s10 =	sld [smem:$0x3FB1];
	_ =	sdelay $0x3  }
0x36: {  	p1 =	seq.s32 s10, $0x1;
	s10 =	sld [smem:$0x3FB2];
	_ =	sdelay $0x3  }
0x37: {  	[smem:$0x3FB2] =	sst s10  }
0x38: {  	s10 =	sld [smem:$0x3FB3]  }
0x39: {  	_ = 	snop;
	(pc) =	sbr.ind lr, $3  }
0x3a: {  	_ = 	snop  }
0x3b: {  	_ = 	snop  }
0x3c: {  	p2 =	seq.s32 s10, $0x1;
	s10 =	sld [smem:$0x3FB2]  }
0x3d: {  	_ =	shalt  }
0x3e: {  	_ =	shalt  }
0x3f: {  	_ =	shalt  }
0x40: {  	_ =	shalt  }
0x41: {  	_ =	shalt  }
0x42: {  	_ =	shalt  }
0x43: {  	_ =	shalt  }
0x44: {  	_ =	shalt  }
0x45: {  	_ =	shalt  }
0x46: {  	_ =	shalt  }
0x47: {  	_ =	shalt  }
0x48: {  	_ =	shalt  }
0x49: {  	_ =	shalt  }
0x4a: {  	_ =	shalt  }
0x4b: {  	_ =	shalt  }
0x4c: {  	_ =	shalt  }
0x4d: {  	_ =	shalt  }
0x4e: {  	_ =	shalt  }
0x4f: {  	_ =	shalt  }
0x50: {  	_ =	shalt  }
0x51: {  	_ =	shalt  }
0x52: {  	_ =	shalt  }
0x53: {  	_ =	shalt  }
0x54: {  	_ =	shalt  }
0x55: {  	_ =	shalt  }
0x56: {  	_ =	shalt  }
0x57: {  	_ =	shalt  }
0x58: {  	_ =	shalt  }
0x59: {  	_ =	shalt  }
0x5a: {  	_ =	shalt  }
0x5b: {  	_ =	shalt  }
0x5c: {  	_ =	shalt  }
0x5d: {  	_ =	shalt  }
0x5e: {  	_ =	shalt  }
0x5f: {  	_ =	shalt  }
0x60: {  	_ =	shalt  }
0x61: {  	_ =	shalt  }
0x62: {  	_ =	shalt  }
0x63: {  	_ =	shalt  }
0x64: {  	_ =	shalt  }
0x65: {  	_ =	shalt  }
0x66: {  	_ =	shalt  }
0x67: {  	_ =	shalt  }
0x68: {  	_ =	shalt  }
0x69: {  	_ =	shalt  }
0x6a: {  	_ =	shalt  }
0x6b: {  	_ =	shalt  }
0x6c: {  	_ =	shalt  }
0x6d: {  	_ =	shalt  }
0x6e: {  	_ =	shalt  }
0x6f: {  	_ =	shalt  }
0x70: {  	_ =	shalt  }
0x71: {  	_ =	shalt  }
0x72: {  	_ =	shalt  }
0x73: {  	_ =	shalt  }
0x74: {  	_ =	shalt  }
0x75: {  	_ =	shalt  }
0x76: {  	_ =	shalt  }
0x77: {  	_ =	shalt  }
0x78: {  	_ =	shalt  }
0x79: {  	_ =	shalt  }
0x7a: {  	_ =	shalt  }
0x7b: {  	_ =	shalt  }
0x7c: {  	_ =	shalt  }
0x7d: {  	_ =	shalt  }
0x7e: {  	_ =	shalt  }
0x7f: {  	_ =	shalt  }
0x80: {  	_ =	shalt  }
0x81: {  	_ =	shalt  }
0x82: {  	_ =	shalt  }
0x83: {  	_ =	shalt  }
0x84: {  	_ =	shalt  }
0x85: {  	_ =	shalt  }
0x86: {  	_ =	shalt  }
0x87: {  	_ =	shalt  }
.Lfunc_end0:
.L_simem_size_0:
called_computation_lowered:
.L_overlay_start_0:
0x88: {  	s2 =	sld [smem:$0x3FD9]  }
0x89: {  	s3 =	sld [smem:$0x3FFE];
	_ =	sdelay $0x1  }
0x8a: {  	s1 =	srdreg.scid  }
0x8b: {  	s0 =	sand.u32 $0x1, s1  }
0x8c: {  	s14 =	sshll.u32 s0, $0xA;
	s2 =	sadd.s32 s3, s2  }
0x8d: {  	s2 =	sadd.s32 s2, s14  }
0x8e: {  	[smem:$0x3FBE] =	sst s2  }
0x8f: {  	_ = 	snop  }
0x90: {  	s2 =	sld [smem:$0x3FD0];
	_ =	sdelay $0x2  }
0x91: {  	s4 =	simm.s32 $0xA;
	s5 =	simm.s32 $0x10;
	s15 =	sld [smem:$0x3FC8]  }
0x92: {  	[smem:s5], [sflag:s4] =	dma.local [hbm:s2], $0x1  }
0x93: {  	_ =	swait.eq [sflag:s4], $0x1  }
0x94: {  	[sflag:s4] =	ssyncset.done $0x0  }
0x95: {  	s16 =	sld [smem:$0x10];
	[sflag:s4] =	ssyncadd.s32 $0xFFFFFFFF  }
0x96: {  	s17 =	sld [smem:$0x11];
	(tm) =	ssettm $0x1  }
0x97: {  	s18 =	sld [smem:$0x3FFB];
	_ =	sdelay $0x3  }
0x98: {  	_ =	strace s18  }
0x99: {  	s5 =	sld [smem:$0x3FFC];
	_ =	sdelay $0x3  }
0x9a: {  	_ =	strace s5  }
0x9b: {  	s5 =	sld [smem:$0x3FFD];
	_ =	sdelay $0x3  }
0x9c: {  	_ =	strace s5  }
0x9d: {  	_ =	strace $0x8FFFFFFF  }
0x9e: {  	s19 =	sld [smem:$0x3FDB];
	_ =	sdelay $0x1  }
0x9f: {  	s6 =	simm.s32 $_scs_section_size  }
0xa0: {  	s7 =	simm.s32 $_size__tile_overlayer_lowered;
	s8 =	simm.s32 $_tile_overlayer_lowered  }
0xa1: {  	s22 =	simm.s32 $0x1BFF;
	s21 =	sshll.u32 s8, $0x1;
	s5 =	sadd.s32 s6, s19  }
0xa2: {  	s9 =	simm.s32 $0x0;
	s20 =	sshll.u32 s7, $0x1;
	s7 =	sadd.s32 s21, s5  }
0xa3: {  	[timem:s9], [sflag:s22] =	dma.local [hbm:s7], s20  }
0xa4: {  	_ =	swait.ge [sflag:s22], s20  }
0xa5: {  	s6 =	ssub.s32 $0x0, s20;
	[sflag:s22] =	ssyncset.done $0x0  }
0xa6: {  	[sflag:s22] =	ssyncadd.s32 s6;
	_ =	sdelay $0x1  }
0xa7: {  	s23 =	simm.s32 $0x1B8B  }
0xa8: {  	_ =	swait.ge [sflag:s23], $0x1  }
0xa9: {  	[sflag:s23] =	ssyncset.done $0x0  }
0xaa: {  	s25 =	simm.s32 $0x1B8E;
	s24 =	sld [smem:$0x3FFE];
	[sflag:s23] =	ssyncadd.s32 $0xFFFFFFFF  }
0xab: {  	s26 =	simm.s32 $execute0_lowered;
	[smem:$0x3FD2] =	sst s25  }
0xac: {  	s7 =	sshll.u32 s26, $0x1;
	_ =	strace $0x80000046;
	[dreg:$0x1] =	wrdreg $0xFFFFFFFF  }
0xad: {  	s28 =	simm.s32 $_size_execute0_lowered;
	s5 =	sadd.s32 s5, s7;
	[dreg:$0x0] =	wrdreg $0x0  }
0xae: {  	s7 =	sshll.u32 s28, $0x1;
	[dreg:$0x2] =	wrdreg s5  }
0xaf: {  	[dreg:$0x3] =	wrdreg s7  }
0xb0: {  	[dreg:$0x4] =	wrdreg $0xC0  }
0xb1: {  	_ =	task [dreg:s9], $0x5FFFF  }
0xb2: {  	[dreg:$0x1] =	wrdreg $0xFFFFFFFF  }
0xb3: {  	[dreg:$0x0] =	wrdreg $0x60  }
0xb4: {  	[dreg:$0x2] =	wrdreg s16  }
0xb5: {  	[dreg:$0x3] =	wrdreg s24  }
0xb6: {  	[dreg:$0x4] =	wrdreg s15  }
0xb7: {  	[dreg:$0x5] =	wrdreg s17  }
0xb8: {  	[dreg:$0x6] =	wrdreg $0x9  }
0xb9: {  	_ =	task.clear_ibuf [dreg:s9], $0x7FFFF;
	_ =	strace $0x90000046  }
0xba: {  	s29 =	simm.s32 $0x9;
	_ =	strace $0x80000048  }
0xbb: {  	_ =	swait.ge [sflag:s29], $0x1  }
0xbc: {  	[sflag:s29] =	ssyncadd.s32 $0xFFFFFFFF  }
0xbd: {  	_ =	strace $0x90000048  }
0xbe: {  	_ =	sfence  }
0xbf: {  	s30 =	sld [smem:$0x0];
	_ =	sdelay $0x2  }
0xc0: {  	s31 =	sshll.u32 s1, $0xD;
	s1 =	sshrl.u32 s1, $0x2  }
0xc1: {  	s3 =	sand.u32 $0x4000, s31;
	s1 =	sadd.s32 s1, s30  }
0xc2: {  	s0 =	sor.u32 s3, s0;
	s1 =	sshll.u32 s1, $0x11  }
0xc3: {  	s0 =	sor.u32 s1, s0  }
0xc4: {  	s0 =	sadd.s32 $0x8F2B, s0  }
0xc5: {  	[sflag:s0] =	ssyncadd.remote.s32 $0x1  }
0xc6: {  	_ =	sfence.sel $0xFFFF  }
0xc7: {  	[dreg:$0x0] =	wrdreg $0xFFFFFFFF;
	(pc) =	sbr.abs _section_cstart, $3  }
0xc8: {  	[dreg:$0x1] =	wrdreg $0xFFFFFFFF  }
0xc9: {  	_ =	task.clear_ibuf [dreg:s9], $0x2FFFF;
	_ =	strace $0x9FFFFFFF  }
0xca: {  	(tm) =	ssettm $0x7FFFFFFF  }
0xcb: {  	_ =	shalt  }
tec
execute0_lowered:
.L_overlay_start_1:
0x0: {  	(tag) =	ssettag $0x1  }
0x1: {  	s1 =	rddreg [dreg:$0x0]  }
0x2: {  	s2 =	rddreg [dreg:$0x1]  }
0x3: {  	s3 =	rddreg [dreg:$0x2]  }
0x4: {  	s7 =	rddreg [dreg:$0x3];
	s4 =	simm.s32 $0x0  }
0x5: {  	[smem:$0x7FF] =	sst s4  }
0x6: {  	s0 =	rddreg [dreg:$0x4];
	v0 =	vimm.f32 $1.638400000e+04;
	_ =	strace $0x80000047  }
0x7: {  	(erf) = vrcp.f32 v0  }
0x8: {  	s6 =	srdreg.scid  }
0x9: {  	s5 =	stileid.u32;
	s11 =	simm.s32 $0x80;
	s12 =	simm.s32 $0x4080  }
0xa: {  	s13 =	simm.s32 $0x4280;
	s14 =	simm.s32 $0x4100;
	s15 =	simm.s32 $0x8280  }
0xb: {  	s16 =	simm.s32 $0x4180;
	s17 =	simm.s32 $0xC280;
	s18 =	simm.s32 $0x4200  }
0xc: {  	s19 =	simm.s32 $0x10280;
	s20 =	simm.s32 $0x1;
	s6 =	sand.u32 $0x1, s6  }
0xd: {  	s9 =	sshll.u32 s5, $0xA;
	s8 =	ssub.s32 $0x2, s6;
	s6 =	sshll.u32 s6, $0x9  }
0xe: {  	v2 =	vimm.s32 $0x2000;
	s21 =	simm.s32 $0x0;
	s10 =	sshrl.u32 s8, $0x1;
	s6 =	sor.u32 s6, s9  }
0xf: {  	s8 =	ssub.s32 s8, s10;
	s9 =	sshll.u32 s6, $0x4;
	s10 =	simm.s32 $0x4000  }
0x10: {  	v1 =	vlaneseq.u32;
	v3 =	vimm.s32 $0x4000;
	s7 =	sadd.s32 s7, s9;
	s8 =	smax.u32 s8, $0x1;
	s9 =	simm.s32 $0x2;
	v0 =	vpop (erf)  }
.LBB2_1:
0x11: {  	[tilespmem:s4], [sflag:$0x2] =	stream.linear.gather [hbm4b:s1+s4], $0x4000, $0x38;
	[tilespmem:$0x14280] =	vst v63  }
0x12: {  	_ =	swait.ge [sflag:s9], $0x4000  }
0x13: {  	[sflag:s9] =	ssyncset.done $0x0  }
0x14: {  	[sflag:s9] =	ssyncadd.s32 $0xFFFFC000  }
0x15: {  	[tilespmem:s10], [sflag:$0x2] =	stream.linear.gather [hbm4b:s2+s4], $0x80, $0x38;
	[tilespmem:$0x14280] =	vst v63  }
0x16: {  	_ =	swait.ge [sflag:s9], $0x80  }
0x17: {  	[sflag:s9] =	ssyncset.done $0x0  }
0x18: {  	[sflag:s9] =	ssyncadd.s32 $0xFFFFFF80  }
0x19: {  	v4 =	vld [tilespmem:$0x4000]  }
0x1a: {  	s22 =	smov.u32 s6;
	s23 =	simm.s32 $0x0  }
.LBB2_2:
0x1b: {  	v5 =	vor.u32 s22, v1  }
0x1c: {  	v5 =	vcvt.s32.f32 v5  }
0x1d: {  	v6 =	vld.idx.msk [tilespmem:v2+s4+$0x0], $0xffff  }
0x1e: {  	v5 =	vadd.f32 v5, v4;
	_ =	sdelay $0x1  }
0x1f: {  	v5 =	vmul.f32 v5, v0;
	_ =	sdelay $0x1  }
0x20: {  	vm0 =	vle.f32 v5, v6  }
0x21: {  	v6 =	vsel vm0, $0x0, v2  }
0x22: {  	v7 =	vor.u32 $0x1000, v6;
	_ =	sdelay $0x4  }
0x23: {  	v8 =	vld.idx.msk [tilespmem:v7+s4+$0x0], $0xffff;
	_ =	sdelay $0x4  }
0x24: {  	v9 =	vsel vm0, $0x2000, v3;
	vm14 =	vle.f32 v5, v8  }
0x25: {  	v6 =	vsel vm14, v6, v7;
	v7 =	vsel vm14, v7, v9  }
0x26: {  	v51 =	vsub.s32 v7, v6  }
0x27: {  	v8 =	vshrl.u32 v51, $0x1  }
0x28: {  	v8 =	vadd.s32 v6, v8;
	_ =	sdelay $0x4  }
0x29: {  	v52 =	vld.idx.msk [tilespmem:v8+s4+$0x0], $0xffff;
	_ =	sdelay $0x4  }
0x2a: {  	vm15 =	vle.f32 v5, v52  }
0x2b: {  	v6 =	vsel vm15, v6, v8;
	v7 =	vsel vm15, v8, v7  }
0x2c: {  	v8 =	vsub.s32 v7, v6  }
0x2d: {  	v8 =	vshrl.u32 v8, $0x1  }
0x2e: {  	v8 =	vadd.s32 v6, v8;
	_ =	sdelay $0x4  }
0x2f: {  	v53 =	vld.idx.msk [tilespmem:v8+s4+$0x0], $0xffff;
	_ =	sdelay $0x4  }
0x30: {  	vm4 =	vle.f32 v5, v53  }
0x31: {  	v6 =	vsel vm4, v6, v8;
	v7 =	vsel vm4, v8, v7  }
0x32: {  	v8 =	vsub.s32 v7, v6  }
0x33: {  	v8 =	vshrl.u32 v8, $0x1  }
0x34: {  	v8 =	vadd.s32 v6, v8;
	_ =	sdelay $0x4  }
0x35: {  	v54 =	vld.idx.msk [tilespmem:v8+s4+$0x0], $0xffff;
	_ =	sdelay $0x4  }
0x36: {  	vm5 =	vle.f32 v5, v54  }
0x37: {  	v6 =	vsel vm5, v6, v8;
	v7 =	vsel vm5, v8, v7  }
0x38: {  	v8 =	vsub.s32 v7, v6  }
0x39: {  	v8 =	vshrl.u32 v8, $0x1  }
0x3a: {  	v8 =	vadd.s32 v6, v8;
	_ =	sdelay $0x4  }
0x3b: {  	v55 =	vld.idx.msk [tilespmem:v8+s4+$0x0], $0xffff;
	_ =	sdelay $0x4  }
0x3c: {  	vm6 =	vle.f32 v5, v55  }
0x3d: {  	v6 =	vsel vm6, v6, v8;
	v7 =	vsel vm6, v8, v7  }
0x3e: {  	v8 =	vsub.s32 v7, v6  }
0x3f: {  	v8 =	vshrl.u32 v8, $0x1  }
0x40: {  	v8 =	vadd.s32 v6, v8;
	_ =	sdelay $0x4  }
0x41: {  	v56 =	vld.idx.msk [tilespmem:v8+s4+$0x0], $0xffff;
	_ =	sdelay $0x4  }
0x42: {  	vm7 =	vle.f32 v5, v56  }
0x43: {  	v6 =	vsel vm7, v6, v8;
	v7 =	vsel vm7, v8, v7  }
0x44: {  	v8 =	vsub.s32 v7, v6  }
0x45: {  	v8 =	vshrl.u32 v8, $0x1  }
0x46: {  	v8 =	vadd.s32 v6, v8;
	_ =	sdelay $0x4  }
0x47: {  	v57 =	vld.idx.msk [tilespmem:v8+s4+$0x0], $0xffff;
	_ =	sdelay $0x4  }
0x48: {  	vm8 =	vle.f32 v5, v57  }
0x49: {  	v6 =	vsel vm8, v6, v8;
	v7 =	vsel vm8, v8, v7  }
0x4a: {  	v8 =	vsub.s32 v7, v6  }
0x4b: {  	v8 =	vshrl.u32 v8, $0x1  }
0x4c: {  	v8 =	vadd.s32 v6, v8;
	_ =	sdelay $0x4  }
0x4d: {  	v58 =	vld.idx.msk [tilespmem:v8+s4+$0x0], $0xffff;
	_ =	sdelay $0x4  }
0x4e: {  	vm9 =	vle.f32 v5, v58  }
0x4f: {  	v6 =	vsel vm9, v6, v8;
	v7 =	vsel vm9, v8, v7  }
0x50: {  	v8 =	vsub.s32 v7, v6  }
0x51: {  	v8 =	vshrl.u32 v8, $0x1  }
0x52: {  	v8 =	vadd.s32 v6, v8;
	_ =	sdelay $0x4  }
0x53: {  	v59 =	vld.idx.msk [tilespmem:v8+s4+$0x0], $0xffff;
	_ =	sdelay $0x4  }
0x54: {  	vm10 =	vle.f32 v5, v59  }
0x55: {  	v6 =	vsel vm10, v6, v8;
	v7 =	vsel vm10, v8, v7  }
0x56: {  	v8 =	vsub.s32 v7, v6  }
0x57: {  	v8 =	vshrl.u32 v8, $0x1  }
0x58: {  	v8 =	vadd.s32 v6, v8;
	_ =	sdelay $0x4  }
0x59: {  	v60 =	vld.idx.msk [tilespmem:v8+s4+$0x0], $0xffff;
	_ =	sdelay $0x4  }
0x5a: {  	vm11 =	vle.f32 v5, v60  }
0x5b: {  	v6 =	vsel vm11, v6, v8;
	v7 =	vsel vm11, v8, v7  }
0x5c: {  	v8 =	vsub.s32 v7, v6  }
0x5d: {  	v8 =	vshrl.u32 v8, $0x1  }
0x5e: {  	v8 =	vadd.s32 v6, v8;
	_ =	sdelay $0x4  }
0x5f: {  	v61 =	vld.idx.msk [tilespmem:v8+s4+$0x0], $0xffff;
	_ =	sdelay $0x4  }
0x60: {  	vm12 =	vle.f32 v5, v61  }
0x61: {  	v6 =	vsel vm12, v6, v8;
	v7 =	vsel vm12, v8, v7  }
0x62: {  	v8 =	vsub.s32 v7, v6  }
0x63: {  	v8 =	vshrl.u32 v8, $0x1  }
0x64: {  	v8 =	vadd.s32 v6, v8;
	_ =	sdelay $0x4  }
0x65: {  	v62 =	vld.idx.msk [tilespmem:v8+s4+$0x0], $0xffff;
	_ =	sdelay $0x4  }
0x66: {  	vm13 =	vle.f32 v5, v62  }
0x67: {  	v6 =	vsel vm13, v6, v8;
	v7 =	vsel vm13, v8, v7  }
0x68: {  	v8 =	vsub.s32 v7, v6  }
0x69: {  	v8 =	vshrl.u32 v8, $0x1  }
0x6a: {  	v8 =	vadd.s32 v6, v8;
	_ =	sdelay $0x4  }
0x6b: {  	v63 =	vld.idx.msk [tilespmem:v8+s4+$0x0], $0xffff;
	_ =	sdelay $0x4  }
0x6c: {  	vm14 =	vle.f32 v5, v63  }
0x6d: {  	v6 =	vsel vm14, v6, v8;
	v7 =	vsel vm14, v8, v7  }
0x6e: {  	v8 =	vsub.s32 v7, v6  }
0x6f: {  	v8 =	vshrl.u32 v8, $0x1  }
0x70: {  	v6 =	vadd.s32 v6, v8;
	_ =	sdelay $0x4  }
0x71: {  	v8 =	vld.idx.msk [tilespmem:v6+s4+$0x0], $0xffff;
	_ =	sdelay $0x3  }
0x72: {  	p0 =	sne.s32 s23, $0x7C0  }
.Ltmp0:
0x73: {  	vm15 =	vle.f32 v5, v8;
	(pc) =	sbr.rel @p0 .LBB2_2-.Ltmp0, $4  }
0x74: {  	v5 =	vsel vm15, v6, v7  }
0x75: {  	vm0 =	vlt.s32 v5, $0x3FFF  }
0x76: {  	s24 =	sshra.s32 s23, $0x2;
	v5 =	vnsel vm0, $0x3FFF, v5  }
0x77: {  	s22 =	sadd.s32 $0x10, s22;
	s23 =	sadd.s32 $0x40, s23;
	[tilespmem:s24+$0x4080] =	vst v5  }
0x78: {  	[tilespmem:s13], [sflag:$0x1] =	stream.indirect.gather [hbm4b:s3+s11], $0x80, s12, s11, $0xb8;
	[tilespmem:$0x14280] =	vst v63  }
0x79: {  	_ = 	snop  }
0x7a: {  	[tilespmem:s15], [sflag:$0x1] =	stream.indirect.gather [hbm4b:s3+s11], $0x80, s14, s11, $0xb8;
	[tilespmem:$0x14280] =	vst v63  }
0x7b: {  	_ = 	snop  }
0x7c: {  	[tilespmem:s17], [sflag:$0x1] =	stream.indirect.gather [hbm4b:s3+s11], $0x80, s16, s11, $0xb8;
	[tilespmem:$0x14280] =	vst v63  }
0x7d: {  	_ = 	snop  }
0x7e: {  	[tilespmem:s19], [sflag:$0x1] =	stream.indirect.gather [hbm4b:s3+s11], $0x80, s18, s11, $0xb8;
	[tilespmem:$0x14280] =	vst v63  }
0x7f: {  	_ =	swait.ge [sflag:s20], $0x4000  }
0x80: {  	[sflag:s20] =	ssyncset.done $0x0  }
0x81: {  	[sflag:s20] =	ssyncadd.s32 $0xFFFFC000  }
0x82: {  	_ =	swait.ge [sflag:s20], $0x4000  }
0x83: {  	[sflag:s20] =	ssyncset.done $0x0  }
0x84: {  	[sflag:s20] =	ssyncadd.s32 $0xFFFFC000  }
0x85: {  	_ =	swait.ge [sflag:s20], $0x4000  }
0x86: {  	[sflag:s20] =	ssyncset.done $0x0  }
0x87: {  	[sflag:s20] =	ssyncadd.s32 $0xFFFFC000  }
0x88: {  	s21 =	sadd.s32 $0x1, s21;
	_ =	swait.ge [sflag:s20], $0x4000  }
0x89: {  	p0 =	sne.s32 s21, s8;
	[sflag:s20] =	ssyncset.done $0x0  }
.Ltmp1:
0x8a: {  	[sflag:s20] =	ssyncadd.s32 $0xFFFFC000;
	(pc) =	sbr.rel @p0 .LBB2_1-.Ltmp1, $4  }
0x8b: {  	[hbm4b:s7+s4] =	stream.linear.scatter [tilespmem:s13], [sflag:$0x2], $0x10000, $0x38;
	[tilespmem:$0x14280] =	vst v63  }
0x8c: {  	_ =	swait.ge [sflag:s9], $0x10000  }
0x8d: {  	[sflag:s9] =	ssyncset.done $0x0  }
0x8e: {  	[sflag:s9] =	ssyncadd.s32 $0xFFFF0000  }
0x8f: {  	_ =	sfence.sel $0x180000  }
0x90: {  	[bflag:$0x0] =	sbarrier.arrive $0xFFFF  }
0x91: {  	p0 =	sne.s32 s5, $0x0;
	_ =	strace $0x90000047  }
0x92: {  	s0 =	sadd.s32 @!p0 $0x100000, s0;
	[bflag:$0x2] =	sbarrier.arrive $0xFFFF  }
0x93: {  	[sflag:s0] =	ssyncadd.tile.s32 @!p0 $0x1;
	_ =	shalt  }
.Lfunc_end2:
_tile_overlayer_lowered:
.L_overlay_start_2:
0x94: {  	(tag) =	ssettag $0x2  }
0x95: {  	s0 =	rddreg [dreg:$0x0];
	s2 =	stileid.u32  }
0x96: {  	s1 =	rddreg [dreg:$0x1];
	p0 =	sne.s32 s2, $0x0  }
0x97: {  	s3 =	rddreg [dreg:$0x2];
	[bflag:$0x3] =	sbarrier.arrive $0xFFFF;
	s2 =	simm.s32 @!p0 $0x1C02  }
0x98: {  	[timem:s3], [sflag:s2] =	dma.local @!p0 [hbm:s0], s1  }
0x99: {  	s0 =	simm.s32 @!p0 $0x2  }
0x9a: {  	_ =	swait.ge @!p0 [sflag:s0], s1  }
0x9b: {  	s1 =	ssub.s32 @!p0 $0x0, s1;
	[sflag:s0] =	ssyncset.done @!p0 $0x0  }
0x9c: {  	[sflag:s0] =	ssyncadd.s32 @!p0 s1  }
0x9d: {  	[bflag:$0x3] =	sbarrier.arrive $0xFFFF  }
0x9e: {  	_ =	shalt  }

</sc_bundles>
